<compile_context>
chip_gen: v7x
topology: tpu7x:2x2x1
jax: 0.10.2.dev20260603
libtpu: 0.0.44.dev20260713+nightly
codegen_flags: <defaults>
</compile_context>

<pallas_src>
import functools

import jax
import jax.numpy as jnp
from jax import lax
from jax.experimental import pallas as pl
from jax.experimental.pallas import tpu as pltpu
from jax.experimental.pallas import tpu_sc as plsc

_NEG_INF = -1e30
_EPS = 1e-5


def _dot(a, b):
    return jax.lax.dot_general(a, b, (((1,), (0,)), ((), ())),
                               preferred_element_type=jnp.float32)


def _dot_t(a, b):
    return jax.lax.dot_general(a, b, (((1,), (1,)), ((), ())),
                               preferred_element_type=jnp.float32)


def _pq_body(x_ref, w0a_ref, w0d_ref, p_ref, q_ref):
    xb = x_ref[0]
    p_ref[0] = _dot(xb, w0a_ref[...])
    q_ref[0] = _dot(xb, w0d_ref[...])


def _topk_body(K, x_tile_ref, x_full_ref, sqb_ref, idx_ref):
    xr = x_tile_ref[0]
    xb = x_full_ref[0]
    N = xb.shape[0]
    TM = xr.shape[0]

    sqr = jnp.sum(xr * xr, axis=1, keepdims=True)
    sqb = sqb_ref[0]
    inner = _dot_t(xr, xb)
    D = 2.0 * inner - sqr - sqb

    iota_col = jax.lax.broadcasted_iota(jnp.int32, (N, 1), 0).astype(jnp.float32)
    base = pl.program_id(0) * N
    cols = []
    for _ in range(K):
        rm = jnp.max(D, axis=1, keepdims=True)
        M = D >= rm
        Mf = M.astype(jnp.float32)
        cols.append(_dot(Mf, iota_col))
        D = jnp.where(M, _NEG_INF, D)
    idx_ref[0] = jnp.concatenate(cols, axis=1).astype(jnp.int32) + base


def _make_sc_gather(NI, CO, BN):
    info = plsc.get_sparse_core_info()
    NC, NS = info.num_cores, info.num_subcores
    NW = NC * NS
    per_w = NI // NW
    CH = min(512, per_w)
    n_ch = per_w // CH
    mesh = plsc.VectorSubcoreMesh(core_axis_name="c", subcore_axis_name="s")

    @functools.partial(
        pl.kernel, mesh=mesh,
        out_type=jax.ShapeDtypeStruct((NI, CO), jnp.float32),
        scratch_types=[
            pltpu.VMEM((2, CH), jnp.int32),
            pltpu.VMEM((2, CH, CO), jnp.float32),
            pltpu.SemaphoreType.DMA,
            pltpu.SemaphoreType.DMA,
            pltpu.SemaphoreType.DMA,
        ],
        compiler_params=pltpu.CompilerParams(use_tc_tiling_on_sc=False),
    )
    def sc_gather(table_hbm, idx_hbm, out_hbm, idx_v, rows_v, sem_g,
                  sem_s0, sem_s1):
        wid = lax.axis_index("s") * NC + lax.axis_index("c")
        w_base = wid * per_w
        sems = (sem_s0, sem_s1)

        def body(h, carry):
            for par in range(2):
                g = h * 2 + par
                base = pl.multiple_of(w_base + g * CH, 8)
                pltpu.sync_copy(idx_hbm.at[pl.ds(base, CH)], idx_v.at[par])

                @pl.when(h >= 1)
                def _drain():
                    prev = pl.multiple_of(base - 2 * CH, 8)
                    pltpu.make_async_copy(
                        rows_v.at[par], out_hbm.at[pl.ds(prev, CH)],
                        sems[par]).wait()

                pltpu.async_copy(table_hbm.at[idx_v.at[par]],
                                 rows_v.at[par], sem_g).wait()
                pltpu.async_copy(rows_v.at[par],
                                 out_hbm.at[pl.ds(base, CH)], sems[par])
            return carry

        lax.fori_loop(0, n_ch // 2, body, 0)
        for par in range(2):
            last = pl.multiple_of(w_base + (n_ch - 2 + par) * CH, 8)
            pltpu.make_async_copy(rows_v.at[par],
                                  out_hbm.at[pl.ds(last, CH)],
                                  sems[par]).wait()

    return sc_gather


def _stats0_body(K, g_ref, q_ref, s0_ref, ss0_ref):
    qr = q_ref[0]
    qt = jnp.concatenate([qr] * K, axis=1)
    h0 = g_ref[0] + qt
    CO = qr.shape[1]
    s = jnp.zeros((CO,), jnp.float32)
    ss = jnp.zeros((CO,), jnp.float32)
    for k in range(K):
        hk = h0[:, k * CO:(k + 1) * CO]
        s = s + jnp.sum(hk, axis=0)
        ss = ss + jnp.sum(hk * hk, axis=0)

    first = (pl.program_id(0) == 0) & (pl.program_id(1) == 0)

    @pl.when(first)
    def _init():
        s0_ref[...] = jnp.zeros_like(s0_ref)
        ss0_ref[...] = jnp.zeros_like(ss0_ref)

    s0_ref[...] += jnp.broadcast_to(s[None, :], s0_ref.shape)
    ss0_ref[...] += jnp.broadcast_to(ss[None, :], ss0_ref.shape)


def _pass2_body(K, g_ref, q_ref, a0_ref, c0_ref, w1_ref,
                mx_ref, mn_ref, s1_ref, ss1_ref):
    qr = q_ref[0]
    qt = jnp.concatenate([qr] * K, axis=1)
    z = a0_ref[...] * (g_ref[0] + qt) + c0_ref[...]
    f = jnp.where(z >= 0, z, 0.01 * z)
    w1 = w1_ref[...]
    CO = w1.shape[0]

    s_acc = jnp.zeros((CO,), jnp.float32)
    ss_acc = jnp.zeros((CO,), jnp.float32)
    mx = None
    mn = None
    for k in range(K):
        fk = f[:, k * CO:(k + 1) * CO]
        hk = _dot(fk, w1)
        s_acc = s_acc + jnp.sum(hk, axis=0)
        ss_acc = ss_acc + jnp.sum(hk * hk, axis=0)
        mx = hk if mx is None else jnp.maximum(mx, hk)
        mn = hk if mn is None else jnp.minimum(mn, hk)

    mx_ref[0] = mx
    mn_ref[0] = mn

    first = (pl.program_id(0) == 0) & (pl.program_id(1) == 0)

    @pl.when(first)
    def _init():
        s1_ref[...] = jnp.zeros_like(s1_ref)
        ss1_ref[...] = jnp.zeros_like(ss1_ref)

    s1_ref[...] += jnp.broadcast_to(s_acc[None, :], s1_ref.shape)
    ss1_ref[...] += jnp.broadcast_to(ss_acc[None, :], ss1_ref.shape)


def _pass3_body(mx_ref, mn_ref, a1_ref, c1_ref, out_ref):
    a1 = a1_ref[...]
    c1 = c1_ref[...]
    pooled = jnp.where(a1 >= 0.0, mx_ref[0], mn_ref[0])
    z = a1 * pooled + c1
    out_ref[0] = jnp.where(z >= 0, z, 0.01 * z)


def kernel(x, W0, gamma0, beta0, W1, gamma1, beta1):
    B, N, C = x.shape
    CO = W0.shape[1]
    K = 32 if N >= 32 else N
    TM = 256 if N % 256 == 0 else N
    nt = N // TM
    cnt = float(B * N * K)
    NI = B * N * K

    W0a = W0[:C]
    W0d = W0[C:] - W0[:C]

    P, Q = pl.pallas_call(
        _pq_body,
        grid=(B,),
        in_specs=[
            pl.BlockSpec((1, N, C), lambda b: (b, 0, 0)),
            pl.BlockSpec((C, CO), lambda b: (0, 0)),
            pl.BlockSpec((C, CO), lambda b: (0, 0)),
        ],
        out_specs=[
            pl.BlockSpec((1, N, CO), lambda b: (b, 0, 0)),
            pl.BlockSpec((1, N, CO), lambda b: (b, 0, 0)),
        ],
        out_shape=[
            jax.ShapeDtypeStruct((B, N, CO), jnp.float32),
            jax.ShapeDtypeStruct((B, N, CO), jnp.float32),
        ],
    )(x, W0a, W0d)

    idx = pl.pallas_call(
        functools.partial(_topk_body, K),
        grid=(B, nt),
        in_specs=[
            pl.BlockSpec((1, TM, C), lambda b, t: (b, t, 0)),
            pl.BlockSpec((1, N, C), lambda b, t: (b, 0, 0)),
            pl.BlockSpec((1, 1, N), lambda b, t: (b, 0, 0)),
        ],
        out_specs=pl.BlockSpec((1, TM, K), lambda b, t: (b, t, 0)),
        out_shape=jax.ShapeDtypeStruct((B, N, K), jnp.int32),
    )(x, x, jnp.sum(x * x, axis=-1).reshape(B, 1, N))

    gather = _make_sc_gather(NI, CO, B * N)
    G = gather(P.reshape(B * N, CO), idx.reshape(NI))
    G = G.reshape(B, N, K * CO)

    s0, ss0 = pl.pallas_call(
        functools.partial(_stats0_body, K),
        grid=(B, nt),
        in_specs=[
            pl.BlockSpec((1, TM, K * CO), lambda b, t: (b, t, 0)),
            pl.BlockSpec((1, TM, CO), lambda b, t: (b, t, 0)),
        ],
        out_specs=[
            pl.BlockSpec((8, CO), lambda b, t: (0, 0)),
            pl.BlockSpec((8, CO), lambda b, t: (0, 0)),
        ],
        out_shape=[
            jax.ShapeDtypeStruct((8, CO), jnp.float32),
            jax.ShapeDtypeStruct((8, CO), jnp.float32),
        ],
    )(G, Q)

    mean0 = s0[0] / cnt
    var0 = ss0[0] / cnt - mean0 * mean0
    a0 = gamma0 / jnp.sqrt(var0 + _EPS)
    c0 = beta0 - a0 * mean0
    a0t = jnp.tile(a0, K)[None, :]
    c0t = jnp.tile(c0, K)[None, :]

    mx, mn, s1, ss1 = pl.pallas_call(
        functools.partial(_pass2_body, K),
        grid=(B, nt),
        in_specs=[
            pl.BlockSpec((1, TM, K * CO), lambda b, t: (b, t, 0)),
            pl.BlockSpec((1, TM, CO), lambda b, t: (b, t, 0)),
            pl.BlockSpec((1, K * CO), lambda b, t: (0, 0)),
            pl.BlockSpec((1, K * CO), lambda b, t: (0, 0)),
            pl.BlockSpec((CO, CO), lambda b, t: (0, 0)),
        ],
        out_specs=[
            pl.BlockSpec((1, TM, CO), lambda b, t: (b, t, 0)),
            pl.BlockSpec((1, TM, CO), lambda b, t: (b, t, 0)),
            pl.BlockSpec((8, CO), lambda b, t: (0, 0)),
            pl.BlockSpec((8, CO), lambda b, t: (0, 0)),
        ],
        out_shape=[
            jax.ShapeDtypeStruct((B, N, CO), jnp.float32),
            jax.ShapeDtypeStruct((B, N, CO), jnp.float32),
            jax.ShapeDtypeStruct((8, CO), jnp.float32),
            jax.ShapeDtypeStruct((8, CO), jnp.float32),
        ],
    )(G, Q, a0t, c0t, W1)

    mean1 = s1[0] / cnt
    var1 = ss1[0] / cnt - mean1 * mean1
    a1 = gamma1 / jnp.sqrt(var1 + _EPS)
    c1 = beta1 - a1 * mean1

    out = pl.pallas_call(
        _pass3_body,
        grid=(B,),
        in_specs=[
            pl.BlockSpec((1, N, CO), lambda b: (b, 0, 0)),
            pl.BlockSpec((1, N, CO), lambda b: (b, 0, 0)),
            pl.BlockSpec((1, CO), lambda b: (0, 0)),
            pl.BlockSpec((1, CO), lambda b: (0, 0)),
        ],
        out_specs=pl.BlockSpec((1, N, CO), lambda b: (b, 0, 0)),
        out_shape=jax.ShapeDtypeStruct((B, N, CO), jnp.float32),
    )(mx, mn, a1[None, :], c1[None, :])

    return out

# --- scband reference (transcript-rebuilt; emitter-appended) ---
"""Pipeline reference for scband-edge-conv-76158360092793 (READ-ONLY COPY).

The authoritative reference and input builder live on the scoring server;
editing this copy changes nothing except your own understanding.
"""

import jax, jax.numpy as jnp
import numpy as np

K = 32

def knn_graph_feature(x, k):
    # x: [B, N, C] point features. Standard DGCNN graph feature:
    # knn by squared euclidean distance, feature = concat(x_j - x_i, x_i) -> [B, N, k, 2C]
    inner = jnp.einsum('bnc,bmc->bnm', x, x)
    sq = jnp.sum(x * x, axis=-1)
    neg_dist = 2.0 * inner - sq[:, :, None] - sq[:, None, :]
    idx = jax.lax.top_k(neg_dist, k)[1]  # [B, N, k]
    nbrs = jax.vmap(lambda xb, ib: xb[ib])(x, idx)  # gather: [B, N, k, C]
    xi = jnp.broadcast_to(x[:, :, None, :], nbrs.shape)
    feat = jnp.concatenate([nbrs - xi, xi], axis=-1)  # [B, N, k, 2C]
    return feat, idx

def _bn(h, gamma, beta, eps=1e-5):
    # BatchNorm2d in train mode: batch stats over (B, N, k) per channel
    mean = jnp.mean(h, axis=(0, 1, 2), keepdims=True)
    var = jnp.var(h, axis=(0, 1, 2), keepdims=True)
    return gamma * (h - mean) / jnp.sqrt(var + eps) + beta

def _lrelu(h):
    return jnp.where(h >= 0, h, 0.01 * h)

def setup_inputs(seed: int = 0):
    key = jax.random.key(seed)
    ks = jax.random.split(key, 3)
    x = jax.random.normal(ks[0], (8, 2048, 64), dtype=jnp.float32)
    W0 = jax.random.normal(ks[1], (128, 64), dtype=jnp.float32) * 0.05  # 1x1 conv: 2*in -> 64
    gamma0 = jnp.ones((64,), jnp.float32)
    beta0 = jnp.zeros((64,), jnp.float32)
    W1 = jax.random.normal(ks[2], (64, 64), dtype=jnp.float32) * 0.05   # 1x1 conv: 64 -> 64
    gamma1 = jnp.ones((64,), jnp.float32)
    beta1 = jnp.zeros((64,), jnp.float32)
    return {"x": x, "W0": W0, "gamma0": gamma0, "beta0": beta0,
            "W1": W1, "gamma1": gamma1, "beta1": beta1}

def reference(x, W0, gamma0, beta0, W1, gamma1, beta1):
    feat, _ = knn_graph_feature(x, K)                      # [B, N, k, 2C]
    h = _lrelu(_bn(jnp.einsum('bnkc,co->bnko', feat, W0), gamma0, beta0))
    h = _lrelu(_bn(jnp.einsum('bnkc,co->bnko', h, W1), gamma1, beta1))
    out = jnp.max(h, axis=2)                               # max over k -> [B, N, C_out]
    return out

if __name__ == "__main__":
    import jax
    _d = setup_inputs()
    print(jax.jit(kernel)(*tuple(_d.values())))

</pallas_src>

<mosaic_0001>
#map = affine_map<(d0, d1) -> (0, 0)>
#map1 = affine_map<(d0, d1) -> (0)>
module attributes {stable_mosaic.version = 14 : i64} {
  func.func @sc_gather(%arg0: i32, %arg1: i32, %arg2: memref<16384x64xf32, #tpu.memory_space<hbm>>, %arg3: memref<524288xi32, #tpu.memory_space<hbm>>, %arg4: memref<524288x64xf32, #tpu.memory_space<hbm>>, %arg5: memref<2x512xi32, #tpu.memory_space<vmem>>, %arg6: memref<2x512x64xf32, #tpu.memory_space<vmem>>, %arg7: memref<!tpu.dma_semaphore, #tpu.memory_space<semaphore_mem>>, %arg8: memref<!tpu.dma_semaphore, #tpu.memory_space<semaphore_mem>>, %arg9: memref<!tpu.dma_semaphore, #tpu.memory_space<semaphore_mem>>) attributes {dimension_semantics = [#tpu.dimension_semantics<core_parallel>, #tpu.dimension_semantics<subcore_parallel>], iteration_bounds = array<i64: 2, 16>, scalar_prefetch = 0 : i64, scratch_operands = 5 : i64, tpu.core_type = #tpu.core_type<sc_vector_subcore>, window_params = [{transform_indices = #map}, {transform_indices = #map1}, {transform_indices = #map}]} {
    %mul3A = arith.constant 2 : i32
    %mul3A_0 = arith.muli %arg1, %mul3A : i32
    %add3A = arith.addi %mul3A_0, %arg0 : i32
    %mul3A_1 = arith.constant 16384 : i32
    %mul3A_2 = arith.muli %add3A, %mul3A_1 : i32
    %scan3A = arith.constant 0 : i32
    %scan3A_3 = arith.constant 0 : i32
    %scan3A_4 = arith.constant 16 : i32
    %scan3A_5 = arith.addi %scan3A_3, %scan3A_4 : i32
    %scan3A_6 = arith.constant 1 : i32
    scf.for %scan3A_38 = %scan3A_3 to %scan3A_5 step %scan3A_6  : i32 {
      %mul3A_39 = arith.constant 2 : i32
      %mul3A_40 = arith.muli %scan3A_38, %mul3A_39 : i32
      %add3A_41 = arith.constant 0 : i32
      %add3A_42 = arith.addi %mul3A_40, %add3A_41 : i32
      %mul3A_43 = arith.constant 512 : i32
      %mul3A_44 = arith.muli %add3A_42, %mul3A_43 : i32
      %add3A_45 = arith.addi %mul3A_2, %mul3A_44 : i32
      %multiple_of3A_46 = tpu.assume_multiple %add3A_45, 8 : i32
      %run_scoped3A = arith.constant 0 : i32
      "tpu.region"() ({
        %run_scoped3A_136 = tpu.sem_alloc : memref<!tpu.dma_semaphore, #tpu.memory_space<semaphore_mem>>
        %dma_start3A_137 = arith.constant 0 : i32
        %dma_start3A_138 = tpu.memref_slice %arg5[%run_scoped3A, %dma_start3A_137] : memref<2x512xi32, #tpu.memory_space<vmem>> -> memref<1x512xi32, #tpu.memory_space<vmem>>
        %dma_start3A_139 = tpu.memref_squeeze %dma_start3A_138 : memref<1x512xi32, #tpu.memory_space<vmem>> -> memref<512xi32, #tpu.memory_space<vmem>>
        %dma_start3A_140 = tpu.memref_slice %arg3[%multiple_of3A_46] : memref<524288xi32, #tpu.memory_space<hbm>> -> memref<512xi32, #tpu.memory_space<hbm>>
        %dma_start3A_141 = arith.constant 0 : i32
        %dma_start3A_142 = tpu.memref_slice %arg5[%run_scoped3A, %dma_start3A_141] : memref<2x512xi32, #tpu.memory_space<vmem>> -> memref<1x512xi32, #tpu.memory_space<vmem>>
        %dma_start3A_143 = tpu.memref_squeeze %dma_start3A_142 : memref<1x512xi32, #tpu.memory_space<vmem>> -> memref<512xi32, #tpu.memory_space<vmem>>
        %dma_start3A_144 = tpu.memref_slice %arg3[%multiple_of3A_46] : memref<524288xi32, #tpu.memory_space<hbm>> -> memref<512xi32, #tpu.memory_space<hbm>>
        tpu.enqueue_dma source(%dma_start3A_144 : memref<512xi32, #tpu.memory_space<hbm>>) target(%dma_start3A_143 : memref<512xi32, #tpu.memory_space<vmem>>) target_semaphore(%run_scoped3A_136 : memref<!tpu.dma_semaphore, #tpu.memory_space<semaphore_mem>>)
        %dma_wait3A_145 = arith.constant 0 : i32
        %dma_wait3A_146 = tpu.memref_slice %arg5[%run_scoped3A, %dma_wait3A_145] : memref<2x512xi32, #tpu.memory_space<vmem>> -> memref<1x512xi32, #tpu.memory_space<vmem>>
        %dma_wait3A_147 = tpu.memref_squeeze %dma_wait3A_146 : memref<1x512xi32, #tpu.memory_space<vmem>> -> memref<512xi32, #tpu.memory_space<vmem>>
        %dma_wait3A_148 = tpu.memref_slice %arg3[%multiple_of3A_46] : memref<524288xi32, #tpu.memory_space<hbm>> -> memref<512xi32, #tpu.memory_space<hbm>>
        %dma_wait3A_149 = arith.constant 0 : i32
        %dma_wait3A_150 = tpu.memref_slice %arg5[%run_scoped3A, %dma_wait3A_149] : memref<2x512xi32, #tpu.memory_space<vmem>> -> memref<1x512xi32, #tpu.memory_space<vmem>>
        %dma_wait3A_151 = tpu.memref_squeeze %dma_wait3A_150 : memref<1x512xi32, #tpu.memory_space<vmem>> -> memref<512xi32, #tpu.memory_space<vmem>>
        %dma_wait3A_152 = tpu.memref_slice %arg3[%multiple_of3A_46] : memref<524288xi32, #tpu.memory_space<hbm>> -> memref<512xi32, #tpu.memory_space<hbm>>
        tpu.wait_dma2 semaphore(%run_scoped3A_136 : memref<!tpu.dma_semaphore, #tpu.memory_space<semaphore_mem>>) src(%dma_wait3A_152 : memref<512xi32, #tpu.memory_space<hbm>>) dst(%dma_wait3A_151 : memref<512xi32, #tpu.memory_space<vmem>>)
        tpu.yield
      }) : () -> ()
      %ge3A = arith.constant 1 : i32
      %ge3A_47 = arith.cmpi sge, %scan3A_38, %ge3A : i32
      %convert_element_type3A = arith.extui %ge3A_47 : i1 to i32
      %cond3A = arith.constant 0 : i32
      %cond3A_48 = arith.cmpi ne, %convert_element_type3A, %cond3A : i32
      scf.if %cond3A_48 {
        %sub3A = arith.constant 1024 : i32
        %sub3A_136 = arith.subi %multiple_of3A_46, %sub3A : i32
        %multiple_of3A_137 = tpu.assume_multiple %sub3A_136, 8 : i32
        %dma_wait3A_138 = arith.constant 0 : i32
        %dma_wait3A_139 = arith.constant 0 : i32
        %dma_wait3A_140 = arith.constant 0 : i32
        %dma_wait3A_141 = tpu.memref_slice %arg6[%dma_wait3A_138, %dma_wait3A_139, %dma_wait3A_140] : memref<2x512x64xf32, #tpu.memory_space<vmem>> -> memref<1x512x64xf32, #tpu.memory_space<vmem>>
        %dma_wait3A_142 = tpu.memref_squeeze %dma_wait3A_141 : memref<1x512x64xf32, #tpu.memory_space<vmem>> -> memref<512x64xf32, #tpu.memory_space<vmem>>
        %dma_wait3A_143 = arith.constant 0 : i32
        %dma_wait3A_144 = tpu.memref_slice %arg4[%multiple_of3A_137, %dma_wait3A_143] : memref<524288x64xf32, #tpu.memory_space<hbm>> -> memref<512x64xf32, #tpu.memory_space<hbm>>
        %dma_wait3A_145 = arith.constant 0 : i32
        %dma_wait3A_146 = tpu.memref_slice %arg4[%multiple_of3A_137, %dma_wait3A_145] : memref<524288x64xf32, #tpu.memory_space<hbm>> -> memref<512x64xf32, #tpu.memory_space<hbm>>
        %dma_wait3A_147 = arith.constant 0 : i32
        %dma_wait3A_148 = arith.constant 0 : i32
        %dma_wait3A_149 = tpu.memref_slice %arg6[%dma_wait3A_138, %dma_wait3A_147, %dma_wait3A_148] : memref<2x512x64xf32, #tpu.memory_space<vmem>> -> memref<1x512x64xf32, #tpu.memory_space<vmem>>
        %dma_wait3A_150 = tpu.memref_squeeze %dma_wait3A_149 : memref<1x512x64xf32, #tpu.memory_space<vmem>> -> memref<512x64xf32, #tpu.memory_space<vmem>>
        tpu.wait_dma2 semaphore(%arg8 : memref<!tpu.dma_semaphore, #tpu.memory_space<semaphore_mem>>) src(%dma_wait3A_150 : memref<512x64xf32, #tpu.memory_space<vmem>>) dst(%dma_wait3A_146 : memref<512x64xf32, #tpu.memory_space<hbm>>)
      } else {
      }
      %dma_start3A = arith.constant 0 : i32
      %dma_start3A_49 = arith.constant 0 : i32
      %dma_start3A_50 = arith.constant 0 : i32
      %dma_start3A_51 = arith.constant 0 : i32
      %dma_start3A_52 = tpu.memref_slice %arg6[%dma_start3A_49, %dma_start3A_50, %dma_start3A_51] : memref<2x512x64xf32, #tpu.memory_space<vmem>> -> memref<1x512x64xf32, #tpu.memory_space<vmem>>
      %dma_start3A_53 = tpu.memref_squeeze %dma_start3A_52 : memref<1x512x64xf32, #tpu.memory_space<vmem>> -> memref<512x64xf32, #tpu.memory_space<vmem>>
      %dma_start3A_54 = arith.constant 0 : i32
      %dma_start3A_55 = tpu.memref_slice %arg5[%dma_start3A, %dma_start3A_54] : memref<2x512xi32, #tpu.memory_space<vmem>> -> memref<1x512xi32, #tpu.memory_space<vmem>>
      %dma_start3A_56 = tpu.memref_squeeze %dma_start3A_55 : memref<1x512xi32, #tpu.memory_space<vmem>> -> memref<512xi32, #tpu.memory_space<vmem>>
      %dma_start3A_57 = arith.constant 0 : i32
      %dma_start3A_58 = arith.constant 0 : i32
      %dma_start3A_59 = tpu.memref_slice %arg2[%dma_start3A_57, %dma_start3A_58] : memref<16384x64xf32, #tpu.memory_space<hbm>> -> memref<16384x64xf32, #tpu.memory_space<hbm>>
      tpu.enqueue_indirect_dma source(%dma_start3A_59 : memref<16384x64xf32, #tpu.memory_space<hbm>>) target(%dma_start3A_53 : memref<512x64xf32, #tpu.memory_space<vmem>>) offsets(%dma_start3A_56 : memref<512xi32, #tpu.memory_space<vmem>>) semaphore(%arg7 : memref<!tpu.dma_semaphore, #tpu.memory_space<semaphore_mem>>)
      %dma_wait3A_60 = arith.constant 0 : i32
      %dma_wait3A_61 = arith.constant 0 : i32
      %dma_wait3A_62 = arith.constant 0 : i32
      %dma_wait3A_63 = arith.constant 0 : i32
      %dma_wait3A_64 = tpu.memref_slice %arg6[%dma_wait3A_61, %dma_wait3A_62, %dma_wait3A_63] : memref<2x512x64xf32, #tpu.memory_space<vmem>> -> memref<1x512x64xf32, #tpu.memory_space<vmem>>
      %dma_wait3A_65 = tpu.memref_squeeze %dma_wait3A_64 : memref<1x512x64xf32, #tpu.memory_space<vmem>> -> memref<512x64xf32, #tpu.memory_space<vmem>>
      %dma_wait3A_66 = arith.constant 0 : i32
      %dma_wait3A_67 = tpu.memref_slice %arg5[%dma_wait3A_60, %dma_wait3A_66] : memref<2x512xi32, #tpu.memory_space<vmem>> -> memref<1x512xi32, #tpu.memory_space<vmem>>
      %dma_wait3A_68 = tpu.memref_squeeze %dma_wait3A_67 : memref<1x512xi32, #tpu.memory_space<vmem>> -> memref<512xi32, #tpu.memory_space<vmem>>
      %dma_wait3A_69 = arith.constant 0 : i32
      %dma_wait3A_70 = arith.constant 0 : i32
      %dma_wait3A_71 = tpu.memref_slice %arg2[%dma_wait3A_69, %dma_wait3A_70] : memref<16384x64xf32, #tpu.memory_space<hbm>> -> memref<16384x64xf32, #tpu.memory_space<hbm>>
      tpu.wait_indirect_dma semaphore(%arg7 : memref<!tpu.dma_semaphore, #tpu.memory_space<semaphore_mem>>) src(%dma_wait3A_71 : memref<16384x64xf32, #tpu.memory_space<hbm>>) dst(%dma_wait3A_65 : memref<512x64xf32, #tpu.memory_space<vmem>>)
      %dma_start3A_72 = arith.constant 0 : i32
      %dma_start3A_73 = arith.constant 0 : i32
      %dma_start3A_74 = arith.constant 0 : i32
      %dma_start3A_75 = tpu.memref_slice %arg6[%dma_start3A_72, %dma_start3A_73, %dma_start3A_74] : memref<2x512x64xf32, #tpu.memory_space<vmem>> -> memref<1x512x64xf32, #tpu.memory_space<vmem>>
      %dma_start3A_76 = tpu.memref_squeeze %dma_start3A_75 : memref<1x512x64xf32, #tpu.memory_space<vmem>> -> memref<512x64xf32, #tpu.memory_space<vmem>>
      %dma_start3A_77 = arith.constant 0 : i32
      %dma_start3A_78 = tpu.memref_slice %arg4[%multiple_of3A_46, %dma_start3A_77] : memref<524288x64xf32, #tpu.memory_space<hbm>> -> memref<512x64xf32, #tpu.memory_space<hbm>>
      %dma_start3A_79 = arith.constant 0 : i32
      %dma_start3A_80 = tpu.memref_slice %arg4[%multiple_of3A_46, %dma_start3A_79] : memref<524288x64xf32, #tpu.memory_space<hbm>> -> memref<512x64xf32, #tpu.memory_space<hbm>>
      %dma_start3A_81 = arith.constant 0 : i32
      %dma_start3A_82 = arith.constant 0 : i32
      %dma_start3A_83 = tpu.memref_slice %arg6[%dma_start3A_72, %dma_start3A_81, %dma_start3A_82] : memref<2x512x64xf32, #tpu.memory_space<vmem>> -> memref<1x512x64xf32, #tpu.memory_space<vmem>>
      %dma_start3A_84 = tpu.memref_squeeze %dma_start3A_83 : memref<1x512x64xf32, #tpu.memory_space<vmem>> -> memref<512x64xf32, #tpu.memory_space<vmem>>
      tpu.enqueue_dma source(%dma_start3A_84 : memref<512x64xf32, #tpu.memory_space<vmem>>) target(%dma_start3A_80 : memref<512x64xf32, #tpu.memory_space<hbm>>) target_semaphore(%arg8 : memref<!tpu.dma_semaphore, #tpu.memory_space<semaphore_mem>>)
      %mul3A_85 = arith.constant 2 : i32
      %mul3A_86 = arith.muli %scan3A_38, %mul3A_85 : i32
      %add3A_87 = arith.constant 1 : i32
      %add3A_88 = arith.addi %mul3A_86, %add3A_87 : i32
      %mul3A_89 = arith.constant 512 : i32
      %mul3A_90 = arith.muli %add3A_88, %mul3A_89 : i32
      %add3A_91 = arith.addi %mul3A_2, %mul3A_90 : i32
      %multiple_of3A_92 = tpu.assume_multiple %add3A_91, 8 : i32
      %run_scoped3A_93 = arith.constant 1 : i32
      "tpu.region"() ({
        %run_scoped3A_136 = tpu.sem_alloc : memref<!tpu.dma_semaphore, #tpu.memory_space<semaphore_mem>>
        %dma_start3A_137 = arith.constant 0 : i32
        %dma_start3A_138 = tpu.memref_slice %arg5[%run_scoped3A_93, %dma_start3A_137] : memref<2x512xi32, #tpu.memory_space<vmem>> -> memref<1x512xi32, #tpu.memory_space<vmem>>
        %dma_start3A_139 = tpu.memref_squeeze %dma_start3A_138 : memref<1x512xi32, #tpu.memory_space<vmem>> -> memref<512xi32, #tpu.memory_space<vmem>>
        %dma_start3A_140 = tpu.memref_slice %arg3[%multiple_of3A_92] : memref<524288xi32, #tpu.memory_space<hbm>> -> memref<512xi32, #tpu.memory_space<hbm>>
        %dma_start3A_141 = arith.constant 0 : i32
        %dma_start3A_142 = tpu.memref_slice %arg5[%run_scoped3A_93, %dma_start3A_141] : memref<2x512xi32, #tpu.memory_space<vmem>> -> memref<1x512xi32, #tpu.memory_space<vmem>>
        %dma_start3A_143 = tpu.memref_squeeze %dma_start3A_142 : memref<1x512xi32, #tpu.memory_space<vmem>> -> memref<512xi32, #tpu.memory_space<vmem>>
        %dma_start3A_144 = tpu.memref_slice %arg3[%multiple_of3A_92] : memref<524288xi32, #tpu.memory_space<hbm>> -> memref<512xi32, #tpu.memory_space<hbm>>
        tpu.enqueue_dma source(%dma_start3A_144 : memref<512xi32, #tpu.memory_space<hbm>>) target(%dma_start3A_143 : memref<512xi32, #tpu.memory_space<vmem>>) target_semaphore(%run_scoped3A_136 : memref<!tpu.dma_semaphore, #tpu.memory_space<semaphore_mem>>)
        %dma_wait3A_145 = arith.constant 0 : i32
        %dma_wait3A_146 = tpu.memref_slice %arg5[%run_scoped3A_93, %dma_wait3A_145] : memref<2x512xi32, #tpu.memory_space<vmem>> -> memref<1x512xi32, #tpu.memory_space<vmem>>
        %dma_wait3A_147 = tpu.memref_squeeze %dma_wait3A_146 : memref<1x512xi32, #tpu.memory_space<vmem>> -> memref<512xi32, #tpu.memory_space<vmem>>
        %dma_wait3A_148 = tpu.memref_slice %arg3[%multiple_of3A_92] : memref<524288xi32, #tpu.memory_space<hbm>> -> memref<512xi32, #tpu.memory_space<hbm>>
        %dma_wait3A_149 = arith.constant 0 : i32
        %dma_wait3A_150 = tpu.memref_slice %arg5[%run_scoped3A_93, %dma_wait3A_149] : memref<2x512xi32, #tpu.memory_space<vmem>> -> memref<1x512xi32, #tpu.memory_space<vmem>>
        %dma_wait3A_151 = tpu.memref_squeeze %dma_wait3A_150 : memref<1x512xi32, #tpu.memory_space<vmem>> -> memref<512xi32, #tpu.memory_space<vmem>>
        %dma_wait3A_152 = tpu.memref_slice %arg3[%multiple_of3A_92] : memref<524288xi32, #tpu.memory_space<hbm>> -> memref<512xi32, #tpu.memory_space<hbm>>
        tpu.wait_dma2 semaphore(%run_scoped3A_136 : memref<!tpu.dma_semaphore, #tpu.memory_space<semaphore_mem>>) src(%dma_wait3A_152 : memref<512xi32, #tpu.memory_space<hbm>>) dst(%dma_wait3A_151 : memref<512xi32, #tpu.memory_space<vmem>>)
        tpu.yield
      }) : () -> ()
      %ge3A_94 = arith.constant 1 : i32
      %ge3A_95 = arith.cmpi sge, %scan3A_38, %ge3A_94 : i32
      %convert_element_type3A_96 = arith.extui %ge3A_95 : i1 to i32
      %cond3A_97 = arith.constant 0 : i32
      %cond3A_98 = arith.cmpi ne, %convert_element_type3A_96, %cond3A_97 : i32
      scf.if %cond3A_98 {
        %sub3A = arith.constant 1024 : i32
        %sub3A_136 = arith.subi %multiple_of3A_92, %sub3A : i32
        %multiple_of3A_137 = tpu.assume_multiple %sub3A_136, 8 : i32
        %dma_wait3A_138 = arith.constant 1 : i32
        %dma_wait3A_139 = arith.constant 0 : i32
        %dma_wait3A_140 = arith.constant 0 : i32
        %dma_wait3A_141 = tpu.memref_slice %arg6[%dma_wait3A_138, %dma_wait3A_139, %dma_wait3A_140] : memref<2x512x64xf32, #tpu.memory_space<vmem>> -> memref<1x512x64xf32, #tpu.memory_space<vmem>>
        %dma_wait3A_142 = tpu.memref_squeeze %dma_wait3A_141 : memref<1x512x64xf32, #tpu.memory_space<vmem>> -> memref<512x64xf32, #tpu.memory_space<vmem>>
        %dma_wait3A_143 = arith.constant 0 : i32
        %dma_wait3A_144 = tpu.memref_slice %arg4[%multiple_of3A_137, %dma_wait3A_143] : memref<524288x64xf32, #tpu.memory_space<hbm>> -> memref<512x64xf32, #tpu.memory_space<hbm>>
        %dma_wait3A_145 = arith.constant 0 : i32
        %dma_wait3A_146 = tpu.memref_slice %arg4[%multiple_of3A_137, %dma_wait3A_145] : memref<524288x64xf32, #tpu.memory_space<hbm>> -> memref<512x64xf32, #tpu.memory_space<hbm>>
        %dma_wait3A_147 = arith.constant 0 : i32
        %dma_wait3A_148 = arith.constant 0 : i32
        %dma_wait3A_149 = tpu.memref_slice %arg6[%dma_wait3A_138, %dma_wait3A_147, %dma_wait3A_148] : memref<2x512x64xf32, #tpu.memory_space<vmem>> -> memref<1x512x64xf32, #tpu.memory_space<vmem>>
        %dma_wait3A_150 = tpu.memref_squeeze %dma_wait3A_149 : memref<1x512x64xf32, #tpu.memory_space<vmem>> -> memref<512x64xf32, #tpu.memory_space<vmem>>
        tpu.wait_dma2 semaphore(%arg9 : memref<!tpu.dma_semaphore, #tpu.memory_space<semaphore_mem>>) src(%dma_wait3A_150 : memref<512x64xf32, #tpu.memory_space<vmem>>) dst(%dma_wait3A_146 : memref<512x64xf32, #tpu.memory_space<hbm>>)
      } else {
      }
      %dma_start3A_99 = arith.constant 1 : i32
      %dma_start3A_100 = arith.constant 1 : i32
      %dma_start3A_101 = arith.constant 0 : i32
      %dma_start3A_102 = arith.constant 0 : i32
      %dma_start3A_103 = tpu.memref_slice %arg6[%dma_start3A_100, %dma_start3A_101, %dma_start3A_102] : memref<2x512x64xf32, #tpu.memory_space<vmem>> -> memref<1x512x64xf32, #tpu.memory_space<vmem>>
      %dma_start3A_104 = tpu.memref_squeeze %dma_start3A_103 : memref<1x512x64xf32, #tpu.memory_space<vmem>> -> memref<512x64xf32, #tpu.memory_space<vmem>>
      %dma_start3A_105 = arith.constant 0 : i32
      %dma_start3A_106 = tpu.memref_slice %arg5[%dma_start3A_99, %dma_start3A_105] : memref<2x512xi32, #tpu.memory_space<vmem>> -> memref<1x512xi32, #tpu.memory_space<vmem>>
      %dma_start3A_107 = tpu.memref_squeeze %dma_start3A_106 : memref<1x512xi32, #tpu.memory_space<vmem>> -> memref<512xi32, #tpu.memory_space<vmem>>
      %dma_start3A_108 = arith.constant 0 : i32
      %dma_start3A_109 = arith.constant 0 : i32
      %dma_start3A_110 = tpu.memref_slice %arg2[%dma_start3A_108, %dma_start3A_109] : memref<16384x64xf32, #tpu.memory_space<hbm>> -> memref<16384x64xf32, #tpu.memory_space<hbm>>
      tpu.enqueue_indirect_dma source(%dma_start3A_110 : memref<16384x64xf32, #tpu.memory_space<hbm>>) target(%dma_start3A_104 : memref<512x64xf32, #tpu.memory_space<vmem>>) offsets(%dma_start3A_107 : memref<512xi32, #tpu.memory_space<vmem>>) semaphore(%arg7 : memref<!tpu.dma_semaphore, #tpu.memory_space<semaphore_mem>>)
      %dma_wait3A_111 = arith.constant 1 : i32
      %dma_wait3A_112 = arith.constant 1 : i32
      %dma_wait3A_113 = arith.constant 0 : i32
      %dma_wait3A_114 = arith.constant 0 : i32
      %dma_wait3A_115 = tpu.memref_slice %arg6[%dma_wait3A_112, %dma_wait3A_113, %dma_wait3A_114] : memref<2x512x64xf32, #tpu.memory_space<vmem>> -> memref<1x512x64xf32, #tpu.memory_space<vmem>>
      %dma_wait3A_116 = tpu.memref_squeeze %dma_wait3A_115 : memref<1x512x64xf32, #tpu.memory_space<vmem>> -> memref<512x64xf32, #tpu.memory_space<vmem>>
      %dma_wait3A_117 = arith.constant 0 : i32
      %dma_wait3A_118 = tpu.memref_slice %arg5[%dma_wait3A_111, %dma_wait3A_117] : memref<2x512xi32, #tpu.memory_space<vmem>> -> memref<1x512xi32, #tpu.memory_space<vmem>>
      %dma_wait3A_119 = tpu.memref_squeeze %dma_wait3A_118 : memref<1x512xi32, #tpu.memory_space<vmem>> -> memref<512xi32, #tpu.memory_space<vmem>>
      %dma_wait3A_120 = arith.constant 0 : i32
      %dma_wait3A_121 = arith.constant 0 : i32
      %dma_wait3A_122 = tpu.memref_slice %arg2[%dma_wait3A_120, %dma_wait3A_121] : memref<16384x64xf32, #tpu.memory_space<hbm>> -> memref<16384x64xf32, #tpu.memory_space<hbm>>
      tpu.wait_indirect_dma semaphore(%arg7 : memref<!tpu.dma_semaphore, #tpu.memory_space<semaphore_mem>>) src(%dma_wait3A_122 : memref<16384x64xf32, #tpu.memory_space<hbm>>) dst(%dma_wait3A_116 : memref<512x64xf32, #tpu.memory_space<vmem>>)
      %dma_start3A_123 = arith.constant 1 : i32
      %dma_start3A_124 = arith.constant 0 : i32
      %dma_start3A_125 = arith.constant 0 : i32
      %dma_start3A_126 = tpu.memref_slice %arg6[%dma_start3A_123, %dma_start3A_124, %dma_start3A_125] : memref<2x512x64xf32, #tpu.memory_space<vmem>> -> memref<1x512x64xf32, #tpu.memory_space<vmem>>
      %dma_start3A_127 = tpu.memref_squeeze %dma_start3A_126 : memref<1x512x64xf32, #tpu.memory_space<vmem>> -> memref<512x64xf32, #tpu.memory_space<vmem>>
      %dma_start3A_128 = arith.constant 0 : i32
      %dma_start3A_129 = tpu.memref_slice %arg4[%multiple_of3A_92, %dma_start3A_128] : memref<524288x64xf32, #tpu.memory_space<hbm>> -> memref<512x64xf32, #tpu.memory_space<hbm>>
      %dma_start3A_130 = arith.constant 0 : i32
      %dma_start3A_131 = tpu.memref_slice %arg4[%multiple_of3A_92, %dma_start3A_130] : memref<524288x64xf32, #tpu.memory_space<hbm>> -> memref<512x64xf32, #tpu.memory_space<hbm>>
      %dma_start3A_132 = arith.constant 0 : i32
      %dma_start3A_133 = arith.constant 0 : i32
      %dma_start3A_134 = tpu.memref_slice %arg6[%dma_start3A_123, %dma_start3A_132, %dma_start3A_133] : memref<2x512x64xf32, #tpu.memory_space<vmem>> -> memref<1x512x64xf32, #tpu.memory_space<vmem>>
      %dma_start3A_135 = tpu.memref_squeeze %dma_start3A_134 : memref<1x512x64xf32, #tpu.memory_space<vmem>> -> memref<512x64xf32, #tpu.memory_space<vmem>>
      tpu.enqueue_dma source(%dma_start3A_135 : memref<512x64xf32, #tpu.memory_space<vmem>>) target(%dma_start3A_131 : memref<512x64xf32, #tpu.memory_space<hbm>>) target_semaphore(%arg9 : memref<!tpu.dma_semaphore, #tpu.memory_space<semaphore_mem>>)
    }
    %scan3A_7 = arith.constant 16 : i32
    %add3A_8 = arith.constant 15360 : i32
    %add3A_9 = arith.addi %mul3A_2, %add3A_8 : i32
    %multiple_of3A = tpu.assume_multiple %add3A_9, 8 : i32
    %dma_wait3A = arith.constant 0 : i32
    %dma_wait3A_10 = arith.constant 0 : i32
    %dma_wait3A_11 = arith.constant 0 : i32
    %dma_wait3A_12 = tpu.memref_slice %arg6[%dma_wait3A, %dma_wait3A_10, %dma_wait3A_11] : memref<2x512x64xf32, #tpu.memory_space<vmem>> -> memref<1x512x64xf32, #tpu.memory_space<vmem>>
    %dma_wait3A_13 = tpu.memref_squeeze %dma_wait3A_12 : memref<1x512x64xf32, #tpu.memory_space<vmem>> -> memref<512x64xf32, #tpu.memory_space<vmem>>
    %dma_wait3A_14 = arith.constant 0 : i32
    %dma_wait3A_15 = tpu.memref_slice %arg4[%multiple_of3A, %dma_wait3A_14] : memref<524288x64xf32, #tpu.memory_space<hbm>> -> memref<512x64xf32, #tpu.memory_space<hbm>>
    %dma_wait3A_16 = arith.constant 0 : i32
    %dma_wait3A_17 = tpu.memref_slice %arg4[%multiple_of3A, %dma_wait3A_16] : memref<524288x64xf32, #tpu.memory_space<hbm>> -> memref<512x64xf32, #tpu.memory_space<hbm>>
    %dma_wait3A_18 = arith.constant 0 : i32
    %dma_wait3A_19 = arith.constant 0 : i32
    %dma_wait3A_20 = tpu.memref_slice %arg6[%dma_wait3A, %dma_wait3A_18, %dma_wait3A_19] : memref<2x512x64xf32, #tpu.memory_space<vmem>> -> memref<1x512x64xf32, #tpu.memory_space<vmem>>
    %dma_wait3A_21 = tpu.memref_squeeze %dma_wait3A_20 : memref<1x512x64xf32, #tpu.memory_space<vmem>> -> memref<512x64xf32, #tpu.memory_space<vmem>>
    tpu.wait_dma2 semaphore(%arg8 : memref<!tpu.dma_semaphore, #tpu.memory_space<semaphore_mem>>) src(%dma_wait3A_21 : memref<512x64xf32, #tpu.memory_space<vmem>>) dst(%dma_wait3A_17 : memref<512x64xf32, #tpu.memory_space<hbm>>)
    %add3A_22 = arith.constant 15872 : i32
    %add3A_23 = arith.addi %mul3A_2, %add3A_22 : i32
    %multiple_of3A_24 = tpu.assume_multiple %add3A_23, 8 : i32
    %dma_wait3A_25 = arith.constant 1 : i32
    %dma_wait3A_26 = arith.constant 0 : i32
    %dma_wait3A_27 = arith.constant 0 : i32
    %dma_wait3A_28 = tpu.memref_slice %arg6[%dma_wait3A_25, %dma_wait3A_26, %dma_wait3A_27] : memref<2x512x64xf32, #tpu.memory_space<vmem>> -> memref<1x512x64xf32, #tpu.memory_space<vmem>>
    %dma_wait3A_29 = tpu.memref_squeeze %dma_wait3A_28 : memref<1x512x64xf32, #tpu.memory_space<vmem>> -> memref<512x64xf32, #tpu.memory_space<vmem>>
    %dma_wait3A_30 = arith.constant 0 : i32
    %dma_wait3A_31 = tpu.memref_slice %arg4[%multiple_of3A_24, %dma_wait3A_30] : memref<524288x64xf32, #tpu.memory_space<hbm>> -> memref<512x64xf32, #tpu.memory_space<hbm>>
    %dma_wait3A_32 = arith.constant 0 : i32
    %dma_wait3A_33 = tpu.memref_slice %arg4[%multiple_of3A_24, %dma_wait3A_32] : memref<524288x64xf32, #tpu.memory_space<hbm>> -> memref<512x64xf32, #tpu.memory_space<hbm>>
    %dma_wait3A_34 = arith.constant 0 : i32
    %dma_wait3A_35 = arith.constant 0 : i32
    %dma_wait3A_36 = tpu.memref_slice %arg6[%dma_wait3A_25, %dma_wait3A_34, %dma_wait3A_35] : memref<2x512x64xf32, #tpu.memory_space<vmem>> -> memref<1x512x64xf32, #tpu.memory_space<vmem>>
    %dma_wait3A_37 = tpu.memref_squeeze %dma_wait3A_36 : memref<1x512x64xf32, #tpu.memory_space<vmem>> -> memref<512x64xf32, #tpu.memory_space<vmem>>
    tpu.wait_dma2 semaphore(%arg9 : memref<!tpu.dma_semaphore, #tpu.memory_space<semaphore_mem>>) src(%dma_wait3A_37 : memref<512x64xf32, #tpu.memory_space<vmem>>) dst(%dma_wait3A_33 : memref<512x64xf32, #tpu.memory_space<hbm>>)
    return
  }
}

module attributes {stable_mosaic.version = 14 : i64} {
  func.func @_topk_body(%arg0: i32, %arg1: i32, %arg2: memref<1x256x64xf32, #tpu.memory_space<vmem>>, %arg3: memref<1x2048x64xf32, #tpu.memory_space<vmem>>, %arg4: memref<1x1x2048xf32, #tpu.memory_space<vmem>>, %arg5: memref<1x256x32xi32, #tpu.memory_space<vmem>>) attributes {dimension_semantics = [#tpu.dimension_semantics<arbitrary>, #tpu.dimension_semantics<arbitrary>], iteration_bounds = array<i64: 8, 8>, scalar_prefetch = 0 : i64, scratch_operands = 0 : i64, tpu.core_type = #tpu.core_type<tc>, window_params = [{transform_indices = @transform_0, window_bounds = array<i64: 1, 256, 64>}, {transform_indices = @transform_1, window_bounds = array<i64: 1, 2048, 64>}, {transform_indices = @transform_2, window_bounds = array<i64: 1, 1, 2048>}, {transform_indices = @transform_3, window_bounds = array<i64: 1, 256, 32>}]} {
    %get3A = arith.constant 0 : index
    %get3A_0 = arith.constant 0 : index
    %get3A_1 = arith.constant 0 : index
    %get3A_2 = vector.load %arg2[%get3A, %get3A_0, %get3A_1] : memref<1x256x64xf32, #tpu.memory_space<vmem>>, vector<1x256x64xf32>
    %get3A_3 = vector.shape_cast %get3A_2 : vector<1x256x64xf32> to vector<256x64xf32>
    %get3A_4 = arith.constant 0 : index
    %get3A_5 = arith.constant 0 : index
    %get3A_6 = arith.constant 0 : index
    %get3A_7 = vector.load %arg3[%get3A_4, %get3A_5, %get3A_6] : memref<1x2048x64xf32, #tpu.memory_space<vmem>>, vector<1x2048x64xf32>
    %get3A_8 = vector.shape_cast %get3A_7 : vector<1x2048x64xf32> to vector<2048x64xf32>
    %mul3A = arith.mulf %get3A_3, %get3A_3 : vector<256x64xf32>
    %reduce_sum3A = arith.constant dense<0.000000e+00> : vector<256xf32>
    %reduce_sum3A_9 = vector.multi_reduction <add>, %mul3A, %reduce_sum3A [1] : vector<256x64xf32> to vector<256xf32>
    %broadcast_in_dim3A = vector.shape_cast %reduce_sum3A_9 : vector<256xf32> to vector<256x1xf32>
    %get3A_10 = arith.constant 0 : index
    %get3A_11 = arith.constant 0 : index
    %get3A_12 = arith.constant 0 : index
    %get3A_13 = vector.load %arg4[%get3A_10, %get3A_11, %get3A_12] : memref<1x1x2048xf32, #tpu.memory_space<vmem>>, vector<1x1x2048xf32>
    %get3A_14 = vector.shape_cast %get3A_13 : vector<1x1x2048xf32> to vector<1x2048xf32>
    %dot_general3A = arith.constant dense<0.000000e+00> : vector<256x2048xf32>
    %dot_general3A_15 = tpu.matmul %get3A_3, %get3A_8, %dot_general3A {dimension_numbers = #tpu.dot_dimension_numbers<[1], [1], [0], [0], [0, 0, 1, 0], [], []>, transpose_lhs_hint = false} : vector<256x64xf32>, vector<2048x64xf32>, vector<256x2048xf32> -> vector<256x2048xf32>
    %mul3A_16 = arith.constant 2.000000e+00 : f32
    %mul3A_17 = vector.broadcast %mul3A_16 : f32 to vector<256x2048xf32>
    %mul3A_18 = arith.mulf %mul3A_17, %dot_general3A_15 : vector<256x2048xf32>
    %sub3A = vector.broadcast %broadcast_in_dim3A : vector<256x1xf32> to vector<256x2048xf32>
    %sub3A_19 = arith.subf %mul3A_18, %sub3A : vector<256x2048xf32>
    %sub3A_20 = vector.broadcast %get3A_14 : vector<1x2048xf32> to vector<256x2048xf32>
    %sub3A_21 = arith.subf %sub3A_19, %sub3A_20 : vector<256x2048xf32>
    %iota3A = tpu.iota {dimensions = array<i32: 0>} : vector<2048x1xi32>
    %convert_element_type3A = arith.sitofp %iota3A : vector<2048x1xi32> to vector<2048x1xf32>
    %mul3A_22 = arith.constant 2048 : i32
    %mul3A_23 = arith.muli %arg0, %mul3A_22 : i32
    %reduce_max3A = arith.constant dense<0xFF800000> : vector<256xf32>
    %reduce_max3A_24 = vector.multi_reduction <maximumf>, %sub3A_21, %reduce_max3A [1] : vector<256x2048xf32> to vector<256xf32>
    %broadcast_in_dim3A_25 = vector.shape_cast %reduce_max3A_24 : vector<256xf32> to vector<256x1xf32>
    %ge3A = vector.broadcast %broadcast_in_dim3A_25 : vector<256x1xf32> to vector<256x2048xf32>
    %ge3A_26 = arith.cmpf oge, %sub3A_21, %ge3A : vector<256x2048xf32>
    %convert_element_type3A_27 = arith.extui %ge3A_26 : vector<256x2048xi1> to vector<256x2048xi32>
    %convert_element_type3A_28 = arith.sitofp %convert_element_type3A_27 : vector<256x2048xi32> to vector<256x2048xf32>
    %dot_general3A_29 = arith.constant dense<0.000000e+00> : vector<256x1xf32>
    %dot_general3A_30 = tpu.matmul %convert_element_type3A_28, %convert_element_type3A, %dot_general3A_29 {dimension_numbers = #tpu.dot_dimension_numbers<[1], [0], [0], [1], [0, 0, 1, 1], [], []>, transpose_lhs_hint = false} : vector<256x2048xf32>, vector<2048x1xf32>, vector<256x1xf32> -> vector<256x1xf32>
    %jit3A = arith.constant -1.000000e+30 : f32
    %broadcast_in_dim3A_31 = vector.broadcast %jit3A : f32 to vector<256x2048xf32>
    %select_n3A = arith.select %ge3A_26, %broadcast_in_dim3A_31, %sub3A_21 : vector<256x2048xi1>, vector<256x2048xf32>
    %reduce_max3A_32 = arith.constant dense<0xFF800000> : vector<256xf32>
    %reduce_max3A_33 = vector.multi_reduction <maximumf>, %select_n3A, %reduce_max3A_32 [1] : vector<256x2048xf32> to vector<256xf32>
    %broadcast_in_dim3A_34 = vector.shape_cast %reduce_max3A_33 : vector<256xf32> to vector<256x1xf32>
    %ge3A_35 = vector.broadcast %broadcast_in_dim3A_34 : vector<256x1xf32> to vector<256x2048xf32>
    %ge3A_36 = arith.cmpf oge, %select_n3A, %ge3A_35 : vector<256x2048xf32>
    %convert_element_type3A_37 = arith.extui %ge3A_36 : vector<256x2048xi1> to vector<256x2048xi32>
    %convert_element_type3A_38 = arith.sitofp %convert_element_type3A_37 : vector<256x2048xi32> to vector<256x2048xf32>
    %dot_general3A_39 = arith.constant dense<0.000000e+00> : vector<256x1xf32>
    %dot_general3A_40 = tpu.matmul %convert_element_type3A_38, %convert_element_type3A, %dot_general3A_39 {dimension_numbers = #tpu.dot_dimension_numbers<[1], [0], [0], [1], [0, 0, 1, 1], [], []>, transpose_lhs_hint = false} : vector<256x2048xf32>, vector<2048x1xf32>, vector<256x1xf32> -> vector<256x1xf32>
    %jit3A_41 = arith.constant -1.000000e+30 : f32
    %broadcast_in_dim3A_42 = vector.broadcast %jit3A_41 : f32 to vector<256x2048xf32>
    %select_n3A_43 = arith.select %ge3A_36, %broadcast_in_dim3A_42, %select_n3A : vector<256x2048xi1>, vector<256x2048xf32>
    %reduce_max3A_44 = arith.constant dense<0xFF800000> : vector<256xf32>
    %reduce_max3A_45 = vector.multi_reduction <maximumf>, %select_n3A_43, %reduce_max3A_44 [1] : vector<256x2048xf32> to vector<256xf32>
    %broadcast_in_dim3A_46 = vector.shape_cast %reduce_max3A_45 : vector<256xf32> to vector<256x1xf32>
    %ge3A_47 = vector.broadcast %broadcast_in_dim3A_46 : vector<256x1xf32> to vector<256x2048xf32>
    %ge3A_48 = arith.cmpf oge, %select_n3A_43, %ge3A_47 : vector<256x2048xf32>
    %convert_element_type3A_49 = arith.extui %ge3A_48 : vector<256x2048xi1> to vector<256x2048xi32>
    %convert_element_type3A_50 = arith.sitofp %convert_element_type3A_49 : vector<256x2048xi32> to vector<256x2048xf32>
    %dot_general3A_51 = arith.constant dense<0.000000e+00> : vector<256x1xf32>
    %dot_general3A_52 = tpu.matmul %convert_element_type3A_50, %convert_element_type3A, %dot_general3A_51 {dimension_numbers = #tpu.dot_dimension_numbers<[1], [0], [0], [1], [0, 0, 1, 1], [], []>, transpose_lhs_hint = false} : vector<256x2048xf32>, vector<2048x1xf32>, vector<256x1xf32> -> vector<256x1xf32>
    %jit3A_53 = arith.constant -1.000000e+30 : f32
    %broadcast_in_dim3A_54 = vector.broadcast %jit3A_53 : f32 to vector<256x2048xf32>
    %select_n3A_55 = arith.select %ge3A_48, %broadcast_in_dim3A_54, %select_n3A_43 : vector<256x2048xi1>, vector<256x2048xf32>
    %reduce_max3A_56 = arith.constant dense<0xFF800000> : vector<256xf32>
    %reduce_max3A_57 = vector.multi_reduction <maximumf>, %select_n3A_55, %reduce_max3A_56 [1] : vector<256x2048xf32> to vector<256xf32>
    %broadcast_in_dim3A_58 = vector.shape_cast %reduce_max3A_57 : vector<256xf32> to vector<256x1xf32>
    %ge3A_59 = vector.broadcast %broadcast_in_dim3A_58 : vector<256x1xf32> to vector<256x2048xf32>
    %ge3A_60 = arith.cmpf oge, %select_n3A_55, %ge3A_59 : vector<256x2048xf32>
    %convert_element_type3A_61 = arith.extui %ge3A_60 : vector<256x2048xi1> to vector<256x2048xi32>
    %convert_element_type3A_62 = arith.sitofp %convert_element_type3A_61 : vector<256x2048xi32> to vector<256x2048xf32>
    %dot_general3A_63 = arith.constant dense<0.000000e+00> : vector<256x1xf32>
    %dot_general3A_64 = tpu.matmul %convert_element_type3A_62, %convert_element_type3A, %dot_general3A_63 {dimension_numbers = #tpu.dot_dimension_numbers<[1], [0], [0], [1], [0, 0, 1, 1], [], []>, transpose_lhs_hint = false} : vector<256x2048xf32>, vector<2048x1xf32>, vector<256x1xf32> -> vector<256x1xf32>
    %jit3A_65 = arith.constant -1.000000e+30 : f32
    %broadcast_in_dim3A_66 = vector.broadcast %jit3A_65 : f32 to vector<256x2048xf32>
    %select_n3A_67 = arith.select %ge3A_60, %broadcast_in_dim3A_66, %select_n3A_55 : vector<256x2048xi1>, vector<256x2048xf32>
    %reduce_max3A_68 = arith.constant dense<0xFF800000> : vector<256xf32>
    %reduce_max3A_69 = vector.multi_reduction <maximumf>, %select_n3A_67, %reduce_max3A_68 [1] : vector<256x2048xf32> to vector<256xf32>
    %broadcast_in_dim3A_70 = vector.shape_cast %reduce_max3A_69 : vector<256xf32> to vector<256x1xf32>
    %ge3A_71 = vector.broadcast %broadcast_in_dim3A_70 : vector<256x1xf32> to vector<256x2048xf32>
    %ge3A_72 = arith.cmpf oge, %select_n3A_67, %ge3A_71 : vector<256x2048xf32>
    %convert_element_type3A_73 = arith.extui %ge3A_72 : vector<256x2048xi1> to vector<256x2048xi32>
    %convert_element_type3A_74 = arith.sitofp %convert_element_type3A_73 : vector<256x2048xi32> to vector<256x2048xf32>
    %dot_general3A_75 = arith.constant dense<0.000000e+00> : vector<256x1xf32>
    %dot_general3A_76 = tpu.matmul %convert_element_type3A_74, %convert_element_type3A, %dot_general3A_75 {dimension_numbers = #tpu.dot_dimension_numbers<[1], [0], [0], [1], [0, 0, 1, 1], [], []>, transpose_lhs_hint = false} : vector<256x2048xf32>, vector<2048x1xf32>, vector<256x1xf32> -> vector<256x1xf32>
    %jit3A_77 = arith.constant -1.000000e+30 : f32
    %broadcast_in_dim3A_78 = vector.broadcast %jit3A_77 : f32 to vector<256x2048xf32>
    %select_n3A_79 = arith.select %ge3A_72, %broadcast_in_dim3A_78, %select_n3A_67 : vector<256x2048xi1>, vector<256x2048xf32>
    %reduce_max3A_80 = arith.constant dense<0xFF800000> : vector<256xf32>
    %reduce_max3A_81 = vector.multi_reduction <maximumf>, %select_n3A_79, %reduce_max3A_80 [1] : vector<256x2048xf32> to vector<256xf32>
    %broadcast_in_dim3A_82 = vector.shape_cast %reduce_max3A_81 : vector<256xf32> to vector<256x1xf32>
    %ge3A_83 = vector.broadcast %broadcast_in_dim3A_82 : vector<256x1xf32> to vector<256x2048xf32>
    %ge3A_84 = arith.cmpf oge, %select_n3A_79, %ge3A_83 : vector<256x2048xf32>
    %convert_element_type3A_85 = arith.extui %ge3A_84 : vector<256x2048xi1> to vector<256x2048xi32>
    %convert_element_type3A_86 = arith.sitofp %convert_element_type3A_85 : vector<256x2048xi32> to vector<256x2048xf32>
    %dot_general3A_87 = arith.constant dense<0.000000e+00> : vector<256x1xf32>
    %dot_general3A_88 = tpu.matmul %convert_element_type3A_86, %convert_element_type3A, %dot_general3A_87 {dimension_numbers = #tpu.dot_dimension_numbers<[1], [0], [0], [1], [0, 0, 1, 1], [], []>, transpose_lhs_hint = false} : vector<256x2048xf32>, vector<2048x1xf32>, vector<256x1xf32> -> vector<256x1xf32>
    %jit3A_89 = arith.constant -1.000000e+30 : f32
    %broadcast_in_dim3A_90 = vector.broadcast %jit3A_89 : f32 to vector<256x2048xf32>
    %select_n3A_91 = arith.select %ge3A_84, %broadcast_in_dim3A_90, %select_n3A_79 : vector<256x2048xi1>, vector<256x2048xf32>
    %reduce_max3A_92 = arith.constant dense<0xFF800000> : vector<256xf32>
    %reduce_max3A_93 = vector.multi_reduction <maximumf>, %select_n3A_91, %reduce_max3A_92 [1] : vector<256x2048xf32> to vector<256xf32>
    %broadcast_in_dim3A_94 = vector.shape_cast %reduce_max3A_93 : vector<256xf32> to vector<256x1xf32>
    %ge3A_95 = vector.broadcast %broadcast_in_dim3A_94 : vector<256x1xf32> to vector<256x2048xf32>
    %ge3A_96 = arith.cmpf oge, %select_n3A_91, %ge3A_95 : vector<256x2048xf32>
    %convert_element_type3A_97 = arith.extui %ge3A_96 : vector<256x2048xi1> to vector<256x2048xi32>
    %convert_element_type3A_98 = arith.sitofp %convert_element_type3A_97 : vector<256x2048xi32> to vector<256x2048xf32>
    %dot_general3A_99 = arith.constant dense<0.000000e+00> : vector<256x1xf32>
    %dot_general3A_100 = tpu.matmul %convert_element_type3A_98, %convert_element_type3A, %dot_general3A_99 {dimension_numbers = #tpu.dot_dimension_numbers<[1], [0], [0], [1], [0, 0, 1, 1], [], []>, transpose_lhs_hint = false} : vector<256x2048xf32>, vector<2048x1xf32>, vector<256x1xf32> -> vector<256x1xf32>
    %jit3A_101 = arith.constant -1.000000e+30 : f32
    %broadcast_in_dim3A_102 = vector.broadcast %jit3A_101 : f32 to vector<256x2048xf32>
    %select_n3A_103 = arith.select %ge3A_96, %broadcast_in_dim3A_102, %select_n3A_91 : vector<256x2048xi1>, vector<256x2048xf32>
    %reduce_max3A_104 = arith.constant dense<0xFF800000> : vector<256xf32>
    %reduce_max3A_105 = vector.multi_reduction <maximumf>, %select_n3A_103, %reduce_max3A_104 [1] : vector<256x2048xf32> to vector<256xf32>
    %broadcast_in_dim3A_106 = vector.shape_cast %reduce_max3A_105 : vector<256xf32> to vector<256x1xf32>
    %ge3A_107 = vector.broadcast %broadcast_in_dim3A_106 : vector<256x1xf32> to vector<256x2048xf32>
    %ge3A_108 = arith.cmpf oge, %select_n3A_103, %ge3A_107 : vector<256x2048xf32>
    %convert_element_type3A_109 = arith.extui %ge3A_108 : vector<256x2048xi1> to vector<256x2048xi32>
    %convert_element_type3A_110 = arith.sitofp %convert_element_type3A_109 : vector<256x2048xi32> to vector<256x2048xf32>
    %dot_general3A_111 = arith.constant dense<0.000000e+00> : vector<256x1xf32>
    %dot_general3A_112 = tpu.matmul %convert_element_type3A_110, %convert_element_type3A, %dot_general3A_111 {dimension_numbers = #tpu.dot_dimension_numbers<[1], [0], [0], [1], [0, 0, 1, 1], [], []>, transpose_lhs_hint = false} : vector<256x2048xf32>, vector<2048x1xf32>, vector<256x1xf32> -> vector<256x1xf32>
    %jit3A_113 = arith.constant -1.000000e+30 : f32
    %broadcast_in_dim3A_114 = vector.broadcast %jit3A_113 : f32 to vector<256x2048xf32>
    %select_n3A_115 = arith.select %ge3A_108, %broadcast_in_dim3A_114, %select_n3A_103 : vector<256x2048xi1>, vector<256x2048xf32>
    %reduce_max3A_116 = arith.constant dense<0xFF800000> : vector<256xf32>
    %reduce_max3A_117 = vector.multi_reduction <maximumf>, %select_n3A_115, %reduce_max3A_116 [1] : vector<256x2048xf32> to vector<256xf32>
    %broadcast_in_dim3A_118 = vector.shape_cast %reduce_max3A_117 : vector<256xf32> to vector<256x1xf32>
    %ge3A_119 = vector.broadcast %broadcast_in_dim3A_118 : vector<256x1xf32> to vector<256x2048xf32>
    %ge3A_120 = arith.cmpf oge, %select_n3A_115, %ge3A_119 : vector<256x2048xf32>
    %convert_element_type3A_121 = arith.extui %ge3A_120 : vector<256x2048xi1> to vector<256x2048xi32>
    %convert_element_type3A_122 = arith.sitofp %convert_element_type3A_121 : vector<256x2048xi32> to vector<256x2048xf32>
    %dot_general3A_123 = arith.constant dense<0.000000e+00> : vector<256x1xf32>
    %dot_general3A_124 = tpu.matmul %convert_element_type3A_122, %convert_element_type3A, %dot_general3A_123 {dimension_numbers = #tpu.dot_dimension_numbers<[1], [0], [0], [1], [0, 0, 1, 1], [], []>, transpose_lhs_hint = false} : vector<256x2048xf32>, vector<2048x1xf32>, vector<256x1xf32> -> vector<256x1xf32>
    %jit3A_125 = arith.constant -1.000000e+30 : f32
    %broadcast_in_dim3A_126 = vector.broadcast %jit3A_125 : f32 to vector<256x2048xf32>
    %select_n3A_127 = arith.select %ge3A_120, %broadcast_in_dim3A_126, %select_n3A_115 : vector<256x2048xi1>, vector<256x2048xf32>
    %reduce_max3A_128 = arith.constant dense<0xFF800000> : vector<256xf32>
    %reduce_max3A_129 = vector.multi_reduction <maximumf>, %select_n3A_127, %reduce_max3A_128 [1] : vector<256x2048xf32> to vector<256xf32>
    %broadcast_in_dim3A_130 = vector.shape_cast %reduce_max3A_129 : vector<256xf32> to vector<256x1xf32>
    %ge3A_131 = vector.broadcast %broadcast_in_dim3A_130 : vector<256x1xf32> to vector<256x2048xf32>
    %ge3A_132 = arith.cmpf oge, %select_n3A_127, %ge3A_131 : vector<256x2048xf32>
    %convert_element_type3A_133 = arith.extui %ge3A_132 : vector<256x2048xi1> to vector<256x2048xi32>
    %convert_element_type3A_134 = arith.sitofp %convert_element_type3A_133 : vector<256x2048xi32> to vector<256x2048xf32>
    %dot_general3A_135 = arith.constant dense<0.000000e+00> : vector<256x1xf32>
    %dot_general3A_136 = tpu.matmul %convert_element_type3A_134, %convert_element_type3A, %dot_general3A_135 {dimension_numbers = #tpu.dot_dimension_numbers<[1], [0], [0], [1], [0, 0, 1, 1], [], []>, transpose_lhs_hint = false} : vector<256x2048xf32>, vector<2048x1xf32>, vector<256x1xf32> -> vector<256x1xf32>
    %jit3A_137 = arith.constant -1.000000e+30 : f32
    %broadcast_in_dim3A_138 = vector.broadcast %jit3A_137 : f32 to vector<256x2048xf32>
    %select_n3A_139 = arith.select %ge3A_132, %broadcast_in_dim3A_138, %select_n3A_127 : vector<256x2048xi1>, vector<256x2048xf32>
    %reduce_max3A_140 = arith.constant dense<0xFF800000> : vector<256xf32>
    %reduce_max3A_141 = vector.multi_reduction <maximumf>, %select_n3A_139, %reduce_max3A_140 [1] : vector<256x2048xf32> to vector<256xf32>
    %broadcast_in_dim3A_142 = vector.shape_cast %reduce_max3A_141 : vector<256xf32> to vector<256x1xf32>
    %ge3A_143 = vector.broadcast %broadcast_in_dim3A_142 : vector<256x1xf32> to vector<256x2048xf32>
    %ge3A_144 = arith.cmpf oge, %select_n3A_139, %ge3A_143 : vector<256x2048xf32>
    %convert_element_type3A_145 = arith.extui %ge3A_144 : vector<256x2048xi1> to vector<256x2048xi32>
    %convert_element_type3A_146 = arith.sitofp %convert_element_type3A_145 : vector<256x2048xi32> to vector<256x2048xf32>
    %dot_general3A_147 = arith.constant dense<0.000000e+00> : vector<256x1xf32>
    %dot_general3A_148 = tpu.matmul %convert_element_type3A_146, %convert_element_type3A, %dot_general3A_147 {dimension_numbers = #tpu.dot_dimension_numbers<[1], [0], [0], [1], [0, 0, 1, 1], [], []>, transpose_lhs_hint = false} : vector<256x2048xf32>, vector<2048x1xf32>, vector<256x1xf32> -> vector<256x1xf32>
    %jit3A_149 = arith.constant -1.000000e+30 : f32
    %broadcast_in_dim3A_150 = vector.broadcast %jit3A_149 : f32 to vector<256x2048xf32>
    %select_n3A_151 = arith.select %ge3A_144, %broadcast_in_dim3A_150, %select_n3A_139 : vector<256x2048xi1>, vector<256x2048xf32>
    %reduce_max3A_152 = arith.constant dense<0xFF800000> : vector<256xf32>
    %reduce_max3A_153 = vector.multi_reduction <maximumf>, %select_n3A_151, %reduce_max3A_152 [1] : vector<256x2048xf32> to vector<256xf32>
    %broadcast_in_dim3A_154 = vector.shape_cast %reduce_max3A_153 : vector<256xf32> to vector<256x1xf32>
    %ge3A_155 = vector.broadcast %broadcast_in_dim3A_154 : vector<256x1xf32> to vector<256x2048xf32>
    %ge3A_156 = arith.cmpf oge, %select_n3A_151, %ge3A_155 : vector<256x2048xf32>
    %convert_element_type3A_157 = arith.extui %ge3A_156 : vector<256x2048xi1> to vector<256x2048xi32>
    %convert_element_type3A_158 = arith.sitofp %convert_element_type3A_157 : vector<256x2048xi32> to vector<256x2048xf32>
    %dot_general3A_159 = arith.constant dense<0.000000e+00> : vector<256x1xf32>
    %dot_general3A_160 = tpu.matmul %convert_element_type3A_158, %convert_element_type3A, %dot_general3A_159 {dimension_numbers = #tpu.dot_dimension_numbers<[1], [0], [0], [1], [0, 0, 1, 1], [], []>, transpose_lhs_hint = false} : vector<256x2048xf32>, vector<2048x1xf32>, vector<256x1xf32> -> vector<256x1xf32>
    %jit3A_161 = arith.constant -1.000000e+30 : f32
    %broadcast_in_dim3A_162 = vector.broadcast %jit3A_161 : f32 to vector<256x2048xf32>
    %select_n3A_163 = arith.select %ge3A_156, %broadcast_in_dim3A_162, %select_n3A_151 : vector<256x2048xi1>, vector<256x2048xf32>
    %reduce_max3A_164 = arith.constant dense<0xFF800000> : vector<256xf32>
    %reduce_max3A_165 = vector.multi_reduction <maximumf>, %select_n3A_163, %reduce_max3A_164 [1] : vector<256x2048xf32> to vector<256xf32>
    %broadcast_in_dim3A_166 = vector.shape_cast %reduce_max3A_165 : vector<256xf32> to vector<256x1xf32>
    %ge3A_167 = vector.broadcast %broadcast_in_dim3A_166 : vector<256x1xf32> to vector<256x2048xf32>
    %ge3A_168 = arith.cmpf oge, %select_n3A_163, %ge3A_167 : vector<256x2048xf32>
    %convert_element_type3A_169 = arith.extui %ge3A_168 : vector<256x2048xi1> to vector<256x2048xi32>
    %convert_element_type3A_170 = arith.sitofp %convert_element_type3A_169 : vector<256x2048xi32> to vector<256x2048xf32>
    %dot_general3A_171 = arith.constant dense<0.000000e+00> : vector<256x1xf32>
    %dot_general3A_172 = tpu.matmul %convert_element_type3A_170, %convert_element_type3A, %dot_general3A_171 {dimension_numbers = #tpu.dot_dimension_numbers<[1], [0], [0], [1], [0, 0, 1, 1], [], []>, transpose_lhs_hint = false} : vector<256x2048xf32>, vector<2048x1xf32>, vector<256x1xf32> -> vector<256x1xf32>
    %jit3A_173 = arith.constant -1.000000e+30 : f32
    %broadcast_in_dim3A_174 = vector.broadcast %jit3A_173 : f32 to vector<256x2048xf32>
    %select_n3A_175 = arith.select %ge3A_168, %broadcast_in_dim3A_174, %select_n3A_163 : vector<256x2048xi1>, vector<256x2048xf32>
    %reduce_max3A_176 = arith.constant dense<0xFF800000> : vector<256xf32>
    %reduce_max3A_177 = vector.multi_reduction <maximumf>, %select_n3A_175, %reduce_max3A_176 [1] : vector<256x2048xf32> to vector<256xf32>
    %broadcast_in_dim3A_178 = vector.shape_cast %reduce_max3A_177 : vector<256xf32> to vector<256x1xf32>
    %ge3A_179 = vector.broadcast %broadcast_in_dim3A_178 : vector<256x1xf32> to vector<256x2048xf32>
    %ge3A_180 = arith.cmpf oge, %select_n3A_175, %ge3A_179 : vector<256x2048xf32>
    %convert_element_type3A_181 = arith.extui %ge3A_180 : vector<256x2048xi1> to vector<256x2048xi32>
    %convert_element_type3A_182 = arith.sitofp %convert_element_type3A_181 : vector<256x2048xi32> to vector<256x2048xf32>
    %dot_general3A_183 = arith.constant dense<0.000000e+00> : vector<256x1xf32>
    %dot_general3A_184 = tpu.matmul %convert_element_type3A_182, %convert_element_type3A, %dot_general3A_183 {dimension_numbers = #tpu.dot_dimension_numbers<[1], [0], [0], [1], [0, 0, 1, 1], [], []>, transpose_lhs_hint = false} : vector<256x2048xf32>, vector<2048x1xf32>, vector<256x1xf32> -> vector<256x1xf32>
    %jit3A_185 = arith.constant -1.000000e+30 : f32
    %broadcast_in_dim3A_186 = vector.broadcast %jit3A_185 : f32 to vector<256x2048xf32>
    %select_n3A_187 = arith.select %ge3A_180, %broadcast_in_dim3A_186, %select_n3A_175 : vector<256x2048xi1>, vector<256x2048xf32>
    %reduce_max3A_188 = arith.constant dense<0xFF800000> : vector<256xf32>
    %reduce_max3A_189 = vector.multi_reduction <maximumf>, %select_n3A_187, %reduce_max3A_188 [1] : vector<256x2048xf32> to vector<256xf32>
    %broadcast_in_dim3A_190 = vector.shape_cast %reduce_max3A_189 : vector<256xf32> to vector<256x1xf32>
    %ge3A_191 = vector.broadcast %broadcast_in_dim3A_190 : vector<256x1xf32> to vector<256x2048xf32>
    %ge3A_192 = arith.cmpf oge, %select_n3A_187, %ge3A_191 : vector<256x2048xf32>
    %convert_element_type3A_193 = arith.extui %ge3A_192 : vector<256x2048xi1> to vector<256x2048xi32>
    %convert_element_type3A_194 = arith.sitofp %convert_element_type3A_193 : vector<256x2048xi32> to vector<256x2048xf32>
    %dot_general3A_195 = arith.constant dense<0.000000e+00> : vector<256x1xf32>
    %dot_general3A_196 = tpu.matmul %convert_element_type3A_194, %convert_element_type3A, %dot_general3A_195 {dimension_numbers = #tpu.dot_dimension_numbers<[1], [0], [0], [1], [0, 0, 1, 1], [], []>, transpose_lhs_hint = false} : vector<256x2048xf32>, vector<2048x1xf32>, vector<256x1xf32> -> vector<256x1xf32>
    %jit3A_197 = arith.constant -1.000000e+30 : f32
    %broadcast_in_dim3A_198 = vector.broadcast %jit3A_197 : f32 to vector<256x2048xf32>
    %select_n3A_199 = arith.select %ge3A_192, %broadcast_in_dim3A_198, %select_n3A_187 : vector<256x2048xi1>, vector<256x2048xf32>
    %reduce_max3A_200 = arith.constant dense<0xFF800000> : vector<256xf32>
    %reduce_max3A_201 = vector.multi_reduction <maximumf>, %select_n3A_199, %reduce_max3A_200 [1] : vector<256x2048xf32> to vector<256xf32>
    %broadcast_in_dim3A_202 = vector.shape_cast %reduce_max3A_201 : vector<256xf32> to vector<256x1xf32>
    %ge3A_203 = vector.broadcast %broadcast_in_dim3A_202 : vector<256x1xf32> to vector<256x2048xf32>
    %ge3A_204 = arith.cmpf oge, %select_n3A_199, %ge3A_203 : vector<256x2048xf32>
    %convert_element_type3A_205 = arith.extui %ge3A_204 : vector<256x2048xi1> to vector<256x2048xi32>
    %convert_element_type3A_206 = arith.sitofp %convert_element_type3A_205 : vector<256x2048xi32> to vector<256x2048xf32>
    %dot_general3A_207 = arith.constant dense<0.000000e+00> : vector<256x1xf32>
    %dot_general3A_208 = tpu.matmul %convert_element_type3A_206, %convert_element_type3A, %dot_general3A_207 {dimension_numbers = #tpu.dot_dimension_numbers<[1], [0], [0], [1], [0, 0, 1, 1], [], []>, transpose_lhs_hint = false} : vector<256x2048xf32>, vector<2048x1xf32>, vector<256x1xf32> -> vector<256x1xf32>
    %jit3A_209 = arith.constant -1.000000e+30 : f32
    %broadcast_in_dim3A_210 = vector.broadcast %jit3A_209 : f32 to vector<256x2048xf32>
    %select_n3A_211 = arith.select %ge3A_204, %broadcast_in_dim3A_210, %select_n3A_199 : vector<256x2048xi1>, vector<256x2048xf32>
    %reduce_max3A_212 = arith.constant dense<0xFF800000> : vector<256xf32>
    %reduce_max3A_213 = vector.multi_reduction <maximumf>, %select_n3A_211, %reduce_max3A_212 [1] : vector<256x2048xf32> to vector<256xf32>
    %broadcast_in_dim3A_214 = vector.shape_cast %reduce_max3A_213 : vector<256xf32> to vector<256x1xf32>
    %ge3A_215 = vector.broadcast %broadcast_in_dim3A_214 : vector<256x1xf32> to vector<256x2048xf32>
    %ge3A_216 = arith.cmpf oge, %select_n3A_211, %ge3A_215 : vector<256x2048xf32>
    %convert_element_type3A_217 = arith.extui %ge3A_216 : vector<256x2048xi1> to vector<256x2048xi32>
    %convert_element_type3A_218 = arith.sitofp %convert_element_type3A_217 : vector<256x2048xi32> to vector<256x2048xf32>
    %dot_general3A_219 = arith.constant dense<0.000000e+00> : vector<256x1xf32>
    %dot_general3A_220 = tpu.matmul %convert_element_type3A_218, %convert_element_type3A, %dot_general3A_219 {dimension_numbers = #tpu.dot_dimension_numbers<[1], [0], [0], [1], [0, 0, 1, 1], [], []>, transpose_lhs_hint = false} : vector<256x2048xf32>, vector<2048x1xf32>, vector<256x1xf32> -> vector<256x1xf32>
    %jit3A_221 = arith.constant -1.000000e+30 : f32
    %broadcast_in_dim3A_222 = vector.broadcast %jit3A_221 : f32 to vector<256x2048xf32>
    %select_n3A_223 = arith.select %ge3A_216, %broadcast_in_dim3A_222, %select_n3A_211 : vector<256x2048xi1>, vector<256x2048xf32>
    %reduce_max3A_224 = arith.constant dense<0xFF800000> : vector<256xf32>
    %reduce_max3A_225 = vector.multi_reduction <maximumf>, %select_n3A_223, %reduce_max3A_224 [1] : vector<256x2048xf32> to vector<256xf32>
    %broadcast_in_dim3A_226 = vector.shape_cast %reduce_max3A_225 : vector<256xf32> to vector<256x1xf32>
    %ge3A_227 = vector.broadcast %broadcast_in_dim3A_226 : vector<256x1xf32> to vector<256x2048xf32>
    %ge3A_228 = arith.cmpf oge, %select_n3A_223, %ge3A_227 : vector<256x2048xf32>
    %convert_element_type3A_229 = arith.extui %ge3A_228 : vector<256x2048xi1> to vector<256x2048xi32>
    %convert_element_type3A_230 = arith.sitofp %convert_element_type3A_229 : vector<256x2048xi32> to vector<256x2048xf32>
    %dot_general3A_231 = arith.constant dense<0.000000e+00> : vector<256x1xf32>
    %dot_general3A_232 = tpu.matmul %convert_element_type3A_230, %convert_element_type3A, %dot_general3A_231 {dimension_numbers = #tpu.dot_dimension_numbers<[1], [0], [0], [1], [0, 0, 1, 1], [], []>, transpose_lhs_hint = false} : vector<256x2048xf32>, vector<2048x1xf32>, vector<256x1xf32> -> vector<256x1xf32>
    %jit3A_233 = arith.constant -1.000000e+30 : f32
    %broadcast_in_dim3A_234 = vector.broadcast %jit3A_233 : f32 to vector<256x2048xf32>
    %select_n3A_235 = arith.select %ge3A_228, %broadcast_in_dim3A_234, %select_n3A_223 : vector<256x2048xi1>, vector<256x2048xf32>
    %reduce_max3A_236 = arith.constant dense<0xFF800000> : vector<256xf32>
    %reduce_max3A_237 = vector.multi_reduction <maximumf>, %select_n3A_235, %reduce_max3A_236 [1] : vector<256x2048xf32> to vector<256xf32>
    %broadcast_in_dim3A_238 = vector.shape_cast %reduce_max3A_237 : vector<256xf32> to vector<256x1xf32>
    %ge3A_239 = vector.broadcast %broadcast_in_dim3A_238 : vector<256x1xf32> to vector<256x2048xf32>
    %ge3A_240 = arith.cmpf oge, %select_n3A_235, %ge3A_239 : vector<256x2048xf32>
    %convert_element_type3A_241 = arith.extui %ge3A_240 : vector<256x2048xi1> to vector<256x2048xi32>
    %convert_element_type3A_242 = arith.sitofp %convert_element_type3A_241 : vector<256x2048xi32> to vector<256x2048xf32>
    %dot_general3A_243 = arith.constant dense<0.000000e+00> : vector<256x1xf32>
    %dot_general3A_244 = tpu.matmul %convert_element_type3A_242, %convert_element_type3A, %dot_general3A_243 {dimension_numbers = #tpu.dot_dimension_numbers<[1], [0], [0], [1], [0, 0, 1, 1], [], []>, transpose_lhs_hint = false} : vector<256x2048xf32>, vector<2048x1xf32>, vector<256x1xf32> -> vector<256x1xf32>
    %jit3A_245 = arith.constant -1.000000e+30 : f32
    %broadcast_in_dim3A_246 = vector.broadcast %jit3A_245 : f32 to vector<256x2048xf32>
    %select_n3A_247 = arith.select %ge3A_240, %broadcast_in_dim3A_246, %select_n3A_235 : vector<256x2048xi1>, vector<256x2048xf32>
    %reduce_max3A_248 = arith.constant dense<0xFF800000> : vector<256xf32>
    %reduce_max3A_249 = vector.multi_reduction <maximumf>, %select_n3A_247, %reduce_max3A_248 [1] : vector<256x2048xf32> to vector<256xf32>
    %broadcast_in_dim3A_250 = vector.shape_cast %reduce_max3A_249 : vector<256xf32> to vector<256x1xf32>
    %ge3A_251 = vector.broadcast %broadcast_in_dim3A_250 : vector<256x1xf32> to vector<256x2048xf32>
    %ge3A_252 = arith.cmpf oge, %select_n3A_247, %ge3A_251 : vector<256x2048xf32>
    %convert_element_type3A_253 = arith.extui %ge3A_252 : vector<256x2048xi1> to vector<256x2048xi32>
    %convert_element_type3A_254 = arith.sitofp %convert_element_type3A_253 : vector<256x2048xi32> to vector<256x2048xf32>
    %dot_general3A_255 = arith.constant dense<0.000000e+00> : vector<256x1xf32>
    %dot_general3A_256 = tpu.matmul %convert_element_type3A_254, %convert_element_type3A, %dot_general3A_255 {dimension_numbers = #tpu.dot_dimension_numbers<[1], [0], [0], [1], [0, 0, 1, 1], [], []>, transpose_lhs_hint = false} : vector<256x2048xf32>, vector<2048x1xf32>, vector<256x1xf32> -> vector<256x1xf32>
    %jit3A_257 = arith.constant -1.000000e+30 : f32
    %broadcast_in_dim3A_258 = vector.broadcast %jit3A_257 : f32 to vector<256x2048xf32>
    %select_n3A_259 = arith.select %ge3A_252, %broadcast_in_dim3A_258, %select_n3A_247 : vector<256x2048xi1>, vector<256x2048xf32>
    %reduce_max3A_260 = arith.constant dense<0xFF800000> : vector<256xf32>
    %reduce_max3A_261 = vector.multi_reduction <maximumf>, %select_n3A_259, %reduce_max3A_260 [1] : vector<256x2048xf32> to vector<256xf32>
    %broadcast_in_dim3A_262 = vector.shape_cast %reduce_max3A_261 : vector<256xf32> to vector<256x1xf32>
    %ge3A_263 = vector.broadcast %broadcast_in_dim3A_262 : vector<256x1xf32> to vector<256x2048xf32>
    %ge3A_264 = arith.cmpf oge, %select_n3A_259, %ge3A_263 : vector<256x2048xf32>
    %convert_element_type3A_265 = arith.extui %ge3A_264 : vector<256x2048xi1> to vector<256x2048xi32>
    %convert_element_type3A_266 = arith.sitofp %convert_element_type3A_265 : vector<256x2048xi32> to vector<256x2048xf32>
    %dot_general3A_267 = arith.constant dense<0.000000e+00> : vector<256x1xf32>
    %dot_general3A_268 = tpu.matmul %convert_element_type3A_266, %convert_element_type3A, %dot_general3A_267 {dimension_numbers = #tpu.dot_dimension_numbers<[1], [0], [0], [1], [0, 0, 1, 1], [], []>, transpose_lhs_hint = false} : vector<256x2048xf32>, vector<2048x1xf32>, vector<256x1xf32> -> vector<256x1xf32>
    %jit3A_269 = arith.constant -1.000000e+30 : f32
    %broadcast_in_dim3A_270 = vector.broadcast %jit3A_269 : f32 to vector<256x2048xf32>
    %select_n3A_271 = arith.select %ge3A_264, %broadcast_in_dim3A_270, %select_n3A_259 : vector<256x2048xi1>, vector<256x2048xf32>
    %reduce_max3A_272 = arith.constant dense<0xFF800000> : vector<256xf32>
    %reduce_max3A_273 = vector.multi_reduction <maximumf>, %select_n3A_271, %reduce_max3A_272 [1] : vector<256x2048xf32> to vector<256xf32>
    %broadcast_in_dim3A_274 = vector.shape_cast %reduce_max3A_273 : vector<256xf32> to vector<256x1xf32>
    %ge3A_275 = vector.broadcast %broadcast_in_dim3A_274 : vector<256x1xf32> to vector<256x2048xf32>
    %ge3A_276 = arith.cmpf oge, %select_n3A_271, %ge3A_275 : vector<256x2048xf32>
    %convert_element_type3A_277 = arith.extui %ge3A_276 : vector<256x2048xi1> to vector<256x2048xi32>
    %convert_element_type3A_278 = arith.sitofp %convert_element_type3A_277 : vector<256x2048xi32> to vector<256x2048xf32>
    %dot_general3A_279 = arith.constant dense<0.000000e+00> : vector<256x1xf32>
    %dot_general3A_280 = tpu.matmul %convert_element_type3A_278, %convert_element_type3A, %dot_general3A_279 {dimension_numbers = #tpu.dot_dimension_numbers<[1], [0], [0], [1], [0, 0, 1, 1], [], []>, transpose_lhs_hint = false} : vector<256x2048xf32>, vector<2048x1xf32>, vector<256x1xf32> -> vector<256x1xf32>
    %jit3A_281 = arith.constant -1.000000e+30 : f32
    %broadcast_in_dim3A_282 = vector.broadcast %jit3A_281 : f32 to vector<256x2048xf32>
    %select_n3A_283 = arith.select %ge3A_276, %broadcast_in_dim3A_282, %select_n3A_271 : vector<256x2048xi1>, vector<256x2048xf32>
    %reduce_max3A_284 = arith.constant dense<0xFF800000> : vector<256xf32>
    %reduce_max3A_285 = vector.multi_reduction <maximumf>, %select_n3A_283, %reduce_max3A_284 [1] : vector<256x2048xf32> to vector<256xf32>
    %broadcast_in_dim3A_286 = vector.shape_cast %reduce_max3A_285 : vector<256xf32> to vector<256x1xf32>
    %ge3A_287 = vector.broadcast %broadcast_in_dim3A_286 : vector<256x1xf32> to vector<256x2048xf32>
    %ge3A_288 = arith.cmpf oge, %select_n3A_283, %ge3A_287 : vector<256x2048xf32>
    %convert_element_type3A_289 = arith.extui %ge3A_288 : vector<256x2048xi1> to vector<256x2048xi32>
    %convert_element_type3A_290 = arith.sitofp %convert_element_type3A_289 : vector<256x2048xi32> to vector<256x2048xf32>
    %dot_general3A_291 = arith.constant dense<0.000000e+00> : vector<256x1xf32>
    %dot_general3A_292 = tpu.matmul %convert_element_type3A_290, %convert_element_type3A, %dot_general3A_291 {dimension_numbers = #tpu.dot_dimension_numbers<[1], [0], [0], [1], [0, 0, 1, 1], [], []>, transpose_lhs_hint = false} : vector<256x2048xf32>, vector<2048x1xf32>, vector<256x1xf32> -> vector<256x1xf32>
    %jit3A_293 = arith.constant -1.000000e+30 : f32
    %broadcast_in_dim3A_294 = vector.broadcast %jit3A_293 : f32 to vector<256x2048xf32>
    %select_n3A_295 = arith.select %ge3A_288, %broadcast_in_dim3A_294, %select_n3A_283 : vector<256x2048xi1>, vector<256x2048xf32>
    %reduce_max3A_296 = arith.constant dense<0xFF800000> : vector<256xf32>
    %reduce_max3A_297 = vector.multi_reduction <maximumf>, %select_n3A_295, %reduce_max3A_296 [1] : vector<256x2048xf32> to vector<256xf32>
    %broadcast_in_dim3A_298 = vector.shape_cast %reduce_max3A_297 : vector<256xf32> to vector<256x1xf32>
    %ge3A_299 = vector.broadcast %broadcast_in_dim3A_298 : vector<256x1xf32> to vector<256x2048xf32>
    %ge3A_300 = arith.cmpf oge, %select_n3A_295, %ge3A_299 : vector<256x2048xf32>
    %convert_element_type3A_301 = arith.extui %ge3A_300 : vector<256x2048xi1> to vector<256x2048xi32>
    %convert_element_type3A_302 = arith.sitofp %convert_element_type3A_301 : vector<256x2048xi32> to vector<256x2048xf32>
    %dot_general3A_303 = arith.constant dense<0.000000e+00> : vector<256x1xf32>
    %dot_general3A_304 = tpu.matmul %convert_element_type3A_302, %convert_element_type3A, %dot_general3A_303 {dimension_numbers = #tpu.dot_dimension_numbers<[1], [0], [0], [1], [0, 0, 1, 1], [], []>, transpose_lhs_hint = false} : vector<256x2048xf32>, vector<2048x1xf32>, vector<256x1xf32> -> vector<256x1xf32>
    %jit3A_305 = arith.constant -1.000000e+30 : f32
    %broadcast_in_dim3A_306 = vector.broadcast %jit3A_305 : f32 to vector<256x2048xf32>
    %select_n3A_307 = arith.select %ge3A_300, %broadcast_in_dim3A_306, %select_n3A_295 : vector<256x2048xi1>, vector<256x2048xf32>
    %reduce_max3A_308 = arith.constant dense<0xFF800000> : vector<256xf32>
    %reduce_max3A_309 = vector.multi_reduction <maximumf>, %select_n3A_307, %reduce_max3A_308 [1] : vector<256x2048xf32> to vector<256xf32>
    %broadcast_in_dim3A_310 = vector.shape_cast %reduce_max3A_309 : vector<256xf32> to vector<256x1xf32>
    %ge3A_311 = vector.broadcast %broadcast_in_dim3A_310 : vector<256x1xf32> to vector<256x2048xf32>
    %ge3A_312 = arith.cmpf oge, %select_n3A_307, %ge3A_311 : vector<256x2048xf32>
    %convert_element_type3A_313 = arith.extui %ge3A_312 : vector<256x2048xi1> to vector<256x2048xi32>
    %convert_element_type3A_314 = arith.sitofp %convert_element_type3A_313 : vector<256x2048xi32> to vector<256x2048xf32>
    %dot_general3A_315 = arith.constant dense<0.000000e+00> : vector<256x1xf32>
    %dot_general3A_316 = tpu.matmul %convert_element_type3A_314, %convert_element_type3A, %dot_general3A_315 {dimension_numbers = #tpu.dot_dimension_numbers<[1], [0], [0], [1], [0, 0, 1, 1], [], []>, transpose_lhs_hint = false} : vector<256x2048xf32>, vector<2048x1xf32>, vector<256x1xf32> -> vector<256x1xf32>
    %jit3A_317 = arith.constant -1.000000e+30 : f32
    %broadcast_in_dim3A_318 = vector.broadcast %jit3A_317 : f32 to vector<256x2048xf32>
    %select_n3A_319 = arith.select %ge3A_312, %broadcast_in_dim3A_318, %select_n3A_307 : vector<256x2048xi1>, vector<256x2048xf32>
    %reduce_max3A_320 = arith.constant dense<0xFF800000> : vector<256xf32>
    %reduce_max3A_321 = vector.multi_reduction <maximumf>, %select_n3A_319, %reduce_max3A_320 [1] : vector<256x2048xf32> to vector<256xf32>
    %broadcast_in_dim3A_322 = vector.shape_cast %reduce_max3A_321 : vector<256xf32> to vector<256x1xf32>
    %ge3A_323 = vector.broadcast %broadcast_in_dim3A_322 : vector<256x1xf32> to vector<256x2048xf32>
    %ge3A_324 = arith.cmpf oge, %select_n3A_319, %ge3A_323 : vector<256x2048xf32>
    %convert_element_type3A_325 = arith.extui %ge3A_324 : vector<256x2048xi1> to vector<256x2048xi32>
    %convert_element_type3A_326 = arith.sitofp %convert_element_type3A_325 : vector<256x2048xi32> to vector<256x2048xf32>
    %dot_general3A_327 = arith.constant dense<0.000000e+00> : vector<256x1xf32>
    %dot_general3A_328 = tpu.matmul %convert_element_type3A_326, %convert_element_type3A, %dot_general3A_327 {dimension_numbers = #tpu.dot_dimension_numbers<[1], [0], [0], [1], [0, 0, 1, 1], [], []>, transpose_lhs_hint = false} : vector<256x2048xf32>, vector<2048x1xf32>, vector<256x1xf32> -> vector<256x1xf32>
    %jit3A_329 = arith.constant -1.000000e+30 : f32
    %broadcast_in_dim3A_330 = vector.broadcast %jit3A_329 : f32 to vector<256x2048xf32>
    %select_n3A_331 = arith.select %ge3A_324, %broadcast_in_dim3A_330, %select_n3A_319 : vector<256x2048xi1>, vector<256x2048xf32>
    %reduce_max3A_332 = arith.constant dense<0xFF800000> : vector<256xf32>
    %reduce_max3A_333 = vector.multi_reduction <maximumf>, %select_n3A_331, %reduce_max3A_332 [1] : vector<256x2048xf32> to vector<256xf32>
    %broadcast_in_dim3A_334 = vector.shape_cast %reduce_max3A_333 : vector<256xf32> to vector<256x1xf32>
    %ge3A_335 = vector.broadcast %broadcast_in_dim3A_334 : vector<256x1xf32> to vector<256x2048xf32>
    %ge3A_336 = arith.cmpf oge, %select_n3A_331, %ge3A_335 : vector<256x2048xf32>
    %convert_element_type3A_337 = arith.extui %ge3A_336 : vector<256x2048xi1> to vector<256x2048xi32>
    %convert_element_type3A_338 = arith.sitofp %convert_element_type3A_337 : vector<256x2048xi32> to vector<256x2048xf32>
    %dot_general3A_339 = arith.constant dense<0.000000e+00> : vector<256x1xf32>
    %dot_general3A_340 = tpu.matmul %convert_element_type3A_338, %convert_element_type3A, %dot_general3A_339 {dimension_numbers = #tpu.dot_dimension_numbers<[1], [0], [0], [1], [0, 0, 1, 1], [], []>, transpose_lhs_hint = false} : vector<256x2048xf32>, vector<2048x1xf32>, vector<256x1xf32> -> vector<256x1xf32>
    %jit3A_341 = arith.constant -1.000000e+30 : f32
    %broadcast_in_dim3A_342 = vector.broadcast %jit3A_341 : f32 to vector<256x2048xf32>
    %select_n3A_343 = arith.select %ge3A_336, %broadcast_in_dim3A_342, %select_n3A_331 : vector<256x2048xi1>, vector<256x2048xf32>
    %reduce_max3A_344 = arith.constant dense<0xFF800000> : vector<256xf32>
    %reduce_max3A_345 = vector.multi_reduction <maximumf>, %select_n3A_343, %reduce_max3A_344 [1] : vector<256x2048xf32> to vector<256xf32>
    %broadcast_in_dim3A_346 = vector.shape_cast %reduce_max3A_345 : vector<256xf32> to vector<256x1xf32>
    %ge3A_347 = vector.broadcast %broadcast_in_dim3A_346 : vector<256x1xf32> to vector<256x2048xf32>
    %ge3A_348 = arith.cmpf oge, %select_n3A_343, %ge3A_347 : vector<256x2048xf32>
    %convert_element_type3A_349 = arith.extui %ge3A_348 : vector<256x2048xi1> to vector<256x2048xi32>
    %convert_element_type3A_350 = arith.sitofp %convert_element_type3A_349 : vector<256x2048xi32> to vector<256x2048xf32>
    %dot_general3A_351 = arith.constant dense<0.000000e+00> : vector<256x1xf32>
    %dot_general3A_352 = tpu.matmul %convert_element_type3A_350, %convert_element_type3A, %dot_general3A_351 {dimension_numbers = #tpu.dot_dimension_numbers<[1], [0], [0], [1], [0, 0, 1, 1], [], []>, transpose_lhs_hint = false} : vector<256x2048xf32>, vector<2048x1xf32>, vector<256x1xf32> -> vector<256x1xf32>
    %jit3A_353 = arith.constant -1.000000e+30 : f32
    %broadcast_in_dim3A_354 = vector.broadcast %jit3A_353 : f32 to vector<256x2048xf32>
    %select_n3A_355 = arith.select %ge3A_348, %broadcast_in_dim3A_354, %select_n3A_343 : vector<256x2048xi1>, vector<256x2048xf32>
    %reduce_max3A_356 = arith.constant dense<0xFF800000> : vector<256xf32>
    %reduce_max3A_357 = vector.multi_reduction <maximumf>, %select_n3A_355, %reduce_max3A_356 [1] : vector<256x2048xf32> to vector<256xf32>
    %broadcast_in_dim3A_358 = vector.shape_cast %reduce_max3A_357 : vector<256xf32> to vector<256x1xf32>
    %ge3A_359 = vector.broadcast %broadcast_in_dim3A_358 : vector<256x1xf32> to vector<256x2048xf32>
    %ge3A_360 = arith.cmpf oge, %select_n3A_355, %ge3A_359 : vector<256x2048xf32>
    %convert_element_type3A_361 = arith.extui %ge3A_360 : vector<256x2048xi1> to vector<256x2048xi32>
    %convert_element_type3A_362 = arith.sitofp %convert_element_type3A_361 : vector<256x2048xi32> to vector<256x2048xf32>
    %dot_general3A_363 = arith.constant dense<0.000000e+00> : vector<256x1xf32>
    %dot_general3A_364 = tpu.matmul %convert_element_type3A_362, %convert_element_type3A, %dot_general3A_363 {dimension_numbers = #tpu.dot_dimension_numbers<[1], [0], [0], [1], [0, 0, 1, 1], [], []>, transpose_lhs_hint = false} : vector<256x2048xf32>, vector<2048x1xf32>, vector<256x1xf32> -> vector<256x1xf32>
    %jit3A_365 = arith.constant -1.000000e+30 : f32
    %broadcast_in_dim3A_366 = vector.broadcast %jit3A_365 : f32 to vector<256x2048xf32>
    %select_n3A_367 = arith.select %ge3A_360, %broadcast_in_dim3A_366, %select_n3A_355 : vector<256x2048xi1>, vector<256x2048xf32>
    %reduce_max3A_368 = arith.constant dense<0xFF800000> : vector<256xf32>
    %reduce_max3A_369 = vector.multi_reduction <maximumf>, %select_n3A_367, %reduce_max3A_368 [1] : vector<256x2048xf32> to vector<256xf32>
    %broadcast_in_dim3A_370 = vector.shape_cast %reduce_max3A_369 : vector<256xf32> to vector<256x1xf32>
    %ge3A_371 = vector.broadcast %broadcast_in_dim3A_370 : vector<256x1xf32> to vector<256x2048xf32>
    %ge3A_372 = arith.cmpf oge, %select_n3A_367, %ge3A_371 : vector<256x2048xf32>
    %convert_element_type3A_373 = arith.extui %ge3A_372 : vector<256x2048xi1> to vector<256x2048xi32>
    %convert_element_type3A_374 = arith.sitofp %convert_element_type3A_373 : vector<256x2048xi32> to vector<256x2048xf32>
    %dot_general3A_375 = arith.constant dense<0.000000e+00> : vector<256x1xf32>
    %dot_general3A_376 = tpu.matmul %convert_element_type3A_374, %convert_element_type3A, %dot_general3A_375 {dimension_numbers = #tpu.dot_dimension_numbers<[1], [0], [0], [1], [0, 0, 1, 1], [], []>, transpose_lhs_hint = false} : vector<256x2048xf32>, vector<2048x1xf32>, vector<256x1xf32> -> vector<256x1xf32>
    %jit3A_377 = arith.constant -1.000000e+30 : f32
    %broadcast_in_dim3A_378 = vector.broadcast %jit3A_377 : f32 to vector<256x2048xf32>
    %select_n3A_379 = arith.select %ge3A_372, %broadcast_in_dim3A_378, %select_n3A_367 : vector<256x2048xi1>, vector<256x2048xf32>
    %reduce_max3A_380 = arith.constant dense<0xFF800000> : vector<256xf32>
    %reduce_max3A_381 = vector.multi_reduction <maximumf>, %select_n3A_379, %reduce_max3A_380 [1] : vector<256x2048xf32> to vector<256xf32>
    %broadcast_in_dim3A_382 = vector.shape_cast %reduce_max3A_381 : vector<256xf32> to vector<256x1xf32>
    %ge3A_383 = vector.broadcast %broadcast_in_dim3A_382 : vector<256x1xf32> to vector<256x2048xf32>
    %ge3A_384 = arith.cmpf oge, %select_n3A_379, %ge3A_383 : vector<256x2048xf32>
    %convert_element_type3A_385 = arith.extui %ge3A_384 : vector<256x2048xi1> to vector<256x2048xi32>
    %convert_element_type3A_386 = arith.sitofp %convert_element_type3A_385 : vector<256x2048xi32> to vector<256x2048xf32>
    %dot_general3A_387 = arith.constant dense<0.000000e+00> : vector<256x1xf32>
    %dot_general3A_388 = tpu.matmul %convert_element_type3A_386, %convert_element_type3A, %dot_general3A_387 {dimension_numbers = #tpu.dot_dimension_numbers<[1], [0], [0], [1], [0, 0, 1, 1], [], []>, transpose_lhs_hint = false} : vector<256x2048xf32>, vector<2048x1xf32>, vector<256x1xf32> -> vector<256x1xf32>
    %jit3A_389 = arith.constant -1.000000e+30 : f32
    %broadcast_in_dim3A_390 = vector.broadcast %jit3A_389 : f32 to vector<256x2048xf32>
    %select_n3A_391 = arith.select %ge3A_384, %broadcast_in_dim3A_390, %select_n3A_379 : vector<256x2048xi1>, vector<256x2048xf32>
    %reduce_max3A_392 = arith.constant dense<0xFF800000> : vector<256xf32>
    %reduce_max3A_393 = vector.multi_reduction <maximumf>, %select_n3A_391, %reduce_max3A_392 [1] : vector<256x2048xf32> to vector<256xf32>
    %broadcast_in_dim3A_394 = vector.shape_cast %reduce_max3A_393 : vector<256xf32> to vector<256x1xf32>
    %ge3A_395 = vector.broadcast %broadcast_in_dim3A_394 : vector<256x1xf32> to vector<256x2048xf32>
    %ge3A_396 = arith.cmpf oge, %select_n3A_391, %ge3A_395 : vector<256x2048xf32>
    %convert_element_type3A_397 = arith.extui %ge3A_396 : vector<256x2048xi1> to vector<256x2048xi32>
    %convert_element_type3A_398 = arith.sitofp %convert_element_type3A_397 : vector<256x2048xi32> to vector<256x2048xf32>
    %dot_general3A_399 = arith.constant dense<0.000000e+00> : vector<256x1xf32>
    %dot_general3A_400 = tpu.matmul %convert_element_type3A_398, %convert_element_type3A, %dot_general3A_399 {dimension_numbers = #tpu.dot_dimension_numbers<[1], [0], [0], [1], [0, 0, 1, 1], [], []>, transpose_lhs_hint = false} : vector<256x2048xf32>, vector<2048x1xf32>, vector<256x1xf32> -> vector<256x1xf32>
    %concatenate3A = tpu.concatenate %dot_general3A_30, %dot_general3A_40, %dot_general3A_52, %dot_general3A_64, %dot_general3A_76, %dot_general3A_88, %dot_general3A_100, %dot_general3A_112, %dot_general3A_124, %dot_general3A_136, %dot_general3A_148, %dot_general3A_160, %dot_general3A_172, %dot_general3A_184, %dot_general3A_196, %dot_general3A_208, %dot_general3A_220, %dot_general3A_232, %dot_general3A_244, %dot_general3A_256, %dot_general3A_268, %dot_general3A_280, %dot_general3A_292, %dot_general3A_304, %dot_general3A_316, %dot_general3A_328, %dot_general3A_340, %dot_general3A_352, %dot_general3A_364, %dot_general3A_376, %dot_general3A_388, %dot_general3A_400 in 1 : vector<256x1xf32>, vector<256x1xf32>, vector<256x1xf32>, vector<256x1xf32>, vector<256x1xf32>, vector<256x1xf32>, vector<256x1xf32>, vector<256x1xf32>, vector<256x1xf32>, vector<256x1xf32>, vector<256x1xf32>, vector<256x1xf32>, vector<256x1xf32>, vector<256x1xf32>, vector<256x1xf32>, vector<256x1xf32>, vector<256x1xf32>, vector<256x1xf32>, vector<256x1xf32>, vector<256x1xf32>, vector<256x1xf32>, vector<256x1xf32>, vector<256x1xf32>, vector<256x1xf32>, vector<256x1xf32>, vector<256x1xf32>, vector<256x1xf32>, vector<256x1xf32>, vector<256x1xf32>, vector<256x1xf32>, vector<256x1xf32>, vector<256x1xf32> -> vector<256x32xf32>
    %convert_element_type3A_401 = arith.fptosi %concatenate3A : vector<256x32xf32> to vector<256x32xi32>
    %add3A = vector.broadcast %mul3A_23 : i32 to vector<256x32xi32>
    %add3A_402 = arith.addi %convert_element_type3A_401, %add3A : vector<256x32xi32>
    %swap3A = arith.constant 0 : index
    %swap3A_403 = arith.constant 0 : index
    %swap3A_404 = arith.constant 0 : index
    %swap3A_405 = vector.load %arg5[%swap3A, %swap3A_403, %swap3A_404] : memref<1x256x32xi32, #tpu.memory_space<vmem>>, vector<1x256x32xi32>
    %swap3A_406 = vector.shape_cast %swap3A_405 : vector<1x256x32xi32> to vector<256x32xi32>
    %swap3A_407 = vector.shape_cast %add3A_402 : vector<256x32xi32> to vector<1x256x32xi32>
    tpu.vector_store %arg5[%swap3A, %swap3A_403, %swap3A_404], %swap3A_407 {strides = array<i32>} : memref<1x256x32xi32, #tpu.memory_space<vmem>>, vector<1x256x32xi32>,
    return
  }
  func.func @transform_0(%arg0: i32, %arg1: i32) -> (i32, i32, i32) {
    %c0_i32 = arith.constant 0 : i32
    %c0_i32_0 = arith.constant 0 : i32
    return %arg0, %arg1, %c0_i32 : i32, i32, i32
  }
  func.func @transform_1(%arg0: i32, %arg1: i32) -> (i32, i32, i32) {
    %c0_i32 = arith.constant 0 : i32
    %c0_i32_0 = arith.constant 0 : i32
    %c0_i32_1 = arith.constant 0 : i32
    return %arg0, %c0_i32, %c0_i32_0 : i32, i32, i32
  }
  func.func @transform_2(%arg0: i32, %arg1: i32) -> (i32, i32, i32) {
    %c0_i32 = arith.constant 0 : i32
    %c0_i32_0 = arith.constant 0 : i32
    %c0_i32_1 = arith.constant 0 : i32
    return %arg0, %c0_i32, %c0_i32_0 : i32, i32, i32
  }
  func.func @transform_3(%arg0: i32, %arg1: i32) -> (i32, i32, i32) {
    %c0_i32 = arith.constant 0 : i32
    %c0_i32_0 = arith.constant 0 : i32
    return %arg0, %arg1, %c0_i32 : i32, i32, i32
  }
}

module attributes {stable_mosaic.version = 14 : i64} {
  func.func @_pq_body(%arg0: i32, %arg1: memref<1x2048x64xf32, #tpu.memory_space<vmem>>, %arg2: memref<64x64xf32, #tpu.memory_space<vmem>>, %arg3: memref<64x64xf32, #tpu.memory_space<vmem>>, %arg4: memref<1x2048x64xf32, #tpu.memory_space<vmem>>, %arg5: memref<1x2048x64xf32, #tpu.memory_space<vmem>>) attributes {dimension_semantics = [#tpu.dimension_semantics<arbitrary>], iteration_bounds = array<i64: 8>, scalar_prefetch = 0 : i64, scratch_operands = 0 : i64, tpu.core_type = #tpu.core_type<tc>, window_params = [{transform_indices = @transform_0, window_bounds = array<i64: 1, 2048, 64>}, {pipeline_mode = #tpu.pipeline_mode<synchronous>, transform_indices = @transform_1, window_bounds = array<i64: 64, 64>}, {pipeline_mode = #tpu.pipeline_mode<synchronous>, transform_indices = @transform_2, window_bounds = array<i64: 64, 64>}, {transform_indices = @transform_3, window_bounds = array<i64: 1, 2048, 64>}, {transform_indices = @transform_4, window_bounds = array<i64: 1, 2048, 64>}]} {
    %get3A = arith.constant 0 : index
    %get3A_0 = arith.constant 0 : index
    %get3A_1 = arith.constant 0 : index
    %get3A_2 = vector.load %arg1[%get3A, %get3A_0, %get3A_1] : memref<1x2048x64xf32, #tpu.memory_space<vmem>>, vector<1x2048x64xf32>
    %get3A_3 = vector.shape_cast %get3A_2 : vector<1x2048x64xf32> to vector<2048x64xf32>
    %get3A_4 = arith.constant 0 : index
    %get3A_5 = arith.constant 0 : index
    %get3A_6 = vector.load %arg2[%get3A_4, %get3A_5] : memref<64x64xf32, #tpu.memory_space<vmem>>, vector<64x64xf32>
    %dot_general3A = arith.constant dense<0.000000e+00> : vector<2048x64xf32>
    %dot_general3A_7 = tpu.matmul %get3A_3, %get3A_6, %dot_general3A {dimension_numbers = #tpu.dot_dimension_numbers<[1], [0], [0], [1], [0, 0, 1, 1], [], []>, transpose_lhs_hint = false} : vector<2048x64xf32>, vector<64x64xf32>, vector<2048x64xf32> -> vector<2048x64xf32>
    %swap3A = arith.constant 0 : index
    %swap3A_8 = arith.constant 0 : index
    %swap3A_9 = arith.constant 0 : index
    %swap3A_10 = vector.load %arg4[%swap3A, %swap3A_8, %swap3A_9] : memref<1x2048x64xf32, #tpu.memory_space<vmem>>, vector<1x2048x64xf32>
    %swap3A_11 = vector.shape_cast %swap3A_10 : vector<1x2048x64xf32> to vector<2048x64xf32>
    %swap3A_12 = vector.shape_cast %dot_general3A_7 : vector<2048x64xf32> to vector<1x2048x64xf32>
    tpu.vector_store %arg4[%swap3A, %swap3A_8, %swap3A_9], %swap3A_12 {strides = array<i32>} : memref<1x2048x64xf32, #tpu.memory_space<vmem>>, vector<1x2048x64xf32>,
    %get3A_13 = arith.constant 0 : index
    %get3A_14 = arith.constant 0 : index
    %get3A_15 = vector.load %arg3[%get3A_13, %get3A_14] : memref<64x64xf32, #tpu.memory_space<vmem>>, vector<64x64xf32>
    %dot_general3A_16 = arith.constant dense<0.000000e+00> : vector<2048x64xf32>
    %dot_general3A_17 = tpu.matmul %get3A_3, %get3A_15, %dot_general3A_16 {dimension_numbers = #tpu.dot_dimension_numbers<[1], [0], [0], [1], [0, 0, 1, 1], [], []>, transpose_lhs_hint = false} : vector<2048x64xf32>, vector<64x64xf32>, vector<2048x64xf32> -> vector<2048x64xf32>
    %swap3A_18 = arith.constant 0 : index
    %swap3A_19 = arith.constant 0 : index
    %swap3A_20 = arith.constant 0 : index
    %swap3A_21 = vector.load %arg5[%swap3A_18, %swap3A_19, %swap3A_20] : memref<1x2048x64xf32, #tpu.memory_space<vmem>>, vector<1x2048x64xf32>
    %swap3A_22 = vector.shape_cast %swap3A_21 : vector<1x2048x64xf32> to vector<2048x64xf32>
    %swap3A_23 = vector.shape_cast %dot_general3A_17 : vector<2048x64xf32> to vector<1x2048x64xf32>
    tpu.vector_store %arg5[%swap3A_18, %swap3A_19, %swap3A_20], %swap3A_23 {strides = array<i32>} : memref<1x2048x64xf32, #tpu.memory_space<vmem>>, vector<1x2048x64xf32>,
    return
  }
  func.func @transform_0(%arg0: i32) -> (i32, i32, i32) {
    %c0_i32 = arith.constant 0 : i32
    %c0_i32_0 = arith.constant 0 : i32
    %c0_i32_1 = arith.constant 0 : i32
    return %arg0, %c0_i32, %c0_i32_0 : i32, i32, i32
  }
  func.func @transform_1(%arg0: i32) -> (i32, i32) {
    %c0_i32 = arith.constant 0 : i32
    %c0_i32_0 = arith.constant 0 : i32
    %c0_i32_1 = arith.constant 0 : i32
    return %c0_i32, %c0_i32_0 : i32, i32
  }
  func.func @transform_2(%arg0: i32) -> (i32, i32) {
    %c0_i32 = arith.constant 0 : i32
    %c0_i32_0 = arith.constant 0 : i32
    %c0_i32_1 = arith.constant 0 : i32
    return %c0_i32, %c0_i32_0 : i32, i32
  }
  func.func @transform_3(%arg0: i32) -> (i32, i32, i32) {
    %c0_i32 = arith.constant 0 : i32
    %c0_i32_0 = arith.constant 0 : i32
    %c0_i32_1 = arith.constant 0 : i32
    return %arg0, %c0_i32, %c0_i32_0 : i32, i32, i32
  }
  func.func @transform_4(%arg0: i32) -> (i32, i32, i32) {
    %c0_i32 = arith.constant 0 : i32
    %c0_i32_0 = arith.constant 0 : i32
    %c0_i32_1 = arith.constant 0 : i32
    return %arg0, %c0_i32, %c0_i32_0 : i32, i32, i32
  }
}

module attributes {stable_mosaic.version = 14 : i64} {
  func.func @_stats0_body(%arg0: i32, %arg1: i32, %arg2: memref<1x256x2048xf32, #tpu.memory_space<vmem>>, %arg3: memref<1x256x64xf32, #tpu.memory_space<vmem>>, %arg4: memref<8x64xf32, #tpu.memory_space<vmem>>, %arg5: memref<8x64xf32, #tpu.memory_space<vmem>>) attributes {dimension_semantics = [#tpu.dimension_semantics<arbitrary>, #tpu.dimension_semantics<arbitrary>], iteration_bounds = array<i64: 8, 8>, scalar_prefetch = 0 : i64, scratch_operands = 0 : i64, tpu.core_type = #tpu.core_type<tc>, window_params = [{transform_indices = @transform_0, window_bounds = array<i64: 1, 256, 2048>}, {transform_indices = @transform_1, window_bounds = array<i64: 1, 256, 64>}, {pipeline_mode = #tpu.pipeline_mode<synchronous>, transform_indices = @transform_2, window_bounds = array<i64: 8, 64>}, {pipeline_mode = #tpu.pipeline_mode<synchronous>, transform_indices = @transform_3, window_bounds = array<i64: 8, 64>}]} {
    %get3A = arith.constant 0 : index
    %get3A_0 = arith.constant 0 : index
    %get3A_1 = arith.constant 0 : index
    %get3A_2 = vector.load %arg3[%get3A, %get3A_0, %get3A_1] : memref<1x256x64xf32, #tpu.memory_space<vmem>>, vector<1x256x64xf32>
    %get3A_3 = vector.shape_cast %get3A_2 : vector<1x256x64xf32> to vector<256x64xf32>
    %concatenate3A = tpu.concatenate %get3A_3, %get3A_3, %get3A_3, %get3A_3, %get3A_3, %get3A_3, %get3A_3, %get3A_3, %get3A_3, %get3A_3, %get3A_3, %get3A_3, %get3A_3, %get3A_3, %get3A_3, %get3A_3, %get3A_3, %get3A_3, %get3A_3, %get3A_3, %get3A_3, %get3A_3, %get3A_3, %get3A_3, %get3A_3, %get3A_3, %get3A_3, %get3A_3, %get3A_3, %get3A_3, %get3A_3, %get3A_3 in 1 : vector<256x64xf32>, vector<256x64xf32>, vector<256x64xf32>, vector<256x64xf32>, vector<256x64xf32>, vector<256x64xf32>, vector<256x64xf32>, vector<256x64xf32>, vector<256x64xf32>, vector<256x64xf32>, vector<256x64xf32>, vector<256x64xf32>, vector<256x64xf32>, vector<256x64xf32>, vector<256x64xf32>, vector<256x64xf32>, vector<256x64xf32>, vector<256x64xf32>, vector<256x64xf32>, vector<256x64xf32>, vector<256x64xf32>, vector<256x64xf32>, vector<256x64xf32>, vector<256x64xf32>, vector<256x64xf32>, vector<256x64xf32>, vector<256x64xf32>, vector<256x64xf32>, vector<256x64xf32>, vector<256x64xf32>, vector<256x64xf32>, vector<256x64xf32> -> vector<256x2048xf32>
    %get3A_4 = arith.constant 0 : index
    %get3A_5 = arith.constant 0 : index
    %get3A_6 = arith.constant 0 : index
    %get3A_7 = vector.load %arg2[%get3A_4, %get3A_5, %get3A_6] : memref<1x256x2048xf32, #tpu.memory_space<vmem>>, vector<1x256x2048xf32>
    %get3A_8 = vector.shape_cast %get3A_7 : vector<1x256x2048xf32> to vector<256x2048xf32>
    %add3A = arith.addf %get3A_8, %concatenate3A : vector<256x2048xf32>
    %broadcast_in_dim3A = arith.constant 0.000000e+00 : f32
    %broadcast_in_dim3A_9 = vector.broadcast %broadcast_in_dim3A : f32 to vector<64xf32>
    %broadcast_in_dim3A_10 = arith.constant 0.000000e+00 : f32
    %broadcast_in_dim3A_11 = vector.broadcast %broadcast_in_dim3A_10 : f32 to vector<64xf32>
    %slice3A = vector.extract_strided_slice %add3A {offsets = [0, 0], sizes = [256, 64], strides = [1, 1]} : vector<256x2048xf32> to vector<256x64xf32>
    %reduce_sum3A = arith.constant dense<0.000000e+00> : vector<64xf32>
    %reduce_sum3A_12 = vector.multi_reduction <add>, %slice3A, %reduce_sum3A [0] : vector<256x64xf32> to vector<64xf32>
    %add3A_13 = arith.addf %broadcast_in_dim3A_9, %reduce_sum3A_12 : vector<64xf32>
    %mul3A = arith.mulf %slice3A, %slice3A : vector<256x64xf32>
    %reduce_sum3A_14 = arith.constant dense<0.000000e+00> : vector<64xf32>
    %reduce_sum3A_15 = vector.multi_reduction <add>, %mul3A, %reduce_sum3A_14 [0] : vector<256x64xf32> to vector<64xf32>
    %add3A_16 = arith.addf %broadcast_in_dim3A_11, %reduce_sum3A_15 : vector<64xf32>
    %slice3A_17 = vector.extract_strided_slice %add3A {offsets = [0, 64], sizes = [256, 64], strides = [1, 1]} : vector<256x2048xf32> to vector<256x64xf32>
    %reduce_sum3A_18 = arith.constant dense<0.000000e+00> : vector<64xf32>
    %reduce_sum3A_19 = vector.multi_reduction <add>, %slice3A_17, %reduce_sum3A_18 [0] : vector<256x64xf32> to vector<64xf32>
    %add3A_20 = arith.addf %add3A_13, %reduce_sum3A_19 : vector<64xf32>
    %mul3A_21 = arith.mulf %slice3A_17, %slice3A_17 : vector<256x64xf32>
    %reduce_sum3A_22 = arith.constant dense<0.000000e+00> : vector<64xf32>
    %reduce_sum3A_23 = vector.multi_reduction <add>, %mul3A_21, %reduce_sum3A_22 [0] : vector<256x64xf32> to vector<64xf32>
    %add3A_24 = arith.addf %add3A_16, %reduce_sum3A_23 : vector<64xf32>
    %slice3A_25 = vector.extract_strided_slice %add3A {offsets = [0, 128], sizes = [256, 64], strides = [1, 1]} : vector<256x2048xf32> to vector<256x64xf32>
    %reduce_sum3A_26 = arith.constant dense<0.000000e+00> : vector<64xf32>
    %reduce_sum3A_27 = vector.multi_reduction <add>, %slice3A_25, %reduce_sum3A_26 [0] : vector<256x64xf32> to vector<64xf32>
    %add3A_28 = arith.addf %add3A_20, %reduce_sum3A_27 : vector<64xf32>
    %mul3A_29 = arith.mulf %slice3A_25, %slice3A_25 : vector<256x64xf32>
    %reduce_sum3A_30 = arith.constant dense<0.000000e+00> : vector<64xf32>
    %reduce_sum3A_31 = vector.multi_reduction <add>, %mul3A_29, %reduce_sum3A_30 [0] : vector<256x64xf32> to vector<64xf32>
    %add3A_32 = arith.addf %add3A_24, %reduce_sum3A_31 : vector<64xf32>
    %slice3A_33 = vector.extract_strided_slice %add3A {offsets = [0, 192], sizes = [256, 64], strides = [1, 1]} : vector<256x2048xf32> to vector<256x64xf32>
    %reduce_sum3A_34 = arith.constant dense<0.000000e+00> : vector<64xf32>
    %reduce_sum3A_35 = vector.multi_reduction <add>, %slice3A_33, %reduce_sum3A_34 [0] : vector<256x64xf32> to vector<64xf32>
    %add3A_36 = arith.addf %add3A_28, %reduce_sum3A_35 : vector<64xf32>
    %mul3A_37 = arith.mulf %slice3A_33, %slice3A_33 : vector<256x64xf32>
    %reduce_sum3A_38 = arith.constant dense<0.000000e+00> : vector<64xf32>
    %reduce_sum3A_39 = vector.multi_reduction <add>, %mul3A_37, %reduce_sum3A_38 [0] : vector<256x64xf32> to vector<64xf32>
    %add3A_40 = arith.addf %add3A_32, %reduce_sum3A_39 : vector<64xf32>
    %slice3A_41 = vector.extract_strided_slice %add3A {offsets = [0, 256], sizes = [256, 64], strides = [1, 1]} : vector<256x2048xf32> to vector<256x64xf32>
    %reduce_sum3A_42 = arith.constant dense<0.000000e+00> : vector<64xf32>
    %reduce_sum3A_43 = vector.multi_reduction <add>, %slice3A_41, %reduce_sum3A_42 [0] : vector<256x64xf32> to vector<64xf32>
    %add3A_44 = arith.addf %add3A_36, %reduce_sum3A_43 : vector<64xf32>
    %mul3A_45 = arith.mulf %slice3A_41, %slice3A_41 : vector<256x64xf32>
    %reduce_sum3A_46 = arith.constant dense<0.000000e+00> : vector<64xf32>
    %reduce_sum3A_47 = vector.multi_reduction <add>, %mul3A_45, %reduce_sum3A_46 [0] : vector<256x64xf32> to vector<64xf32>
    %add3A_48 = arith.addf %add3A_40, %reduce_sum3A_47 : vector<64xf32>
    %slice3A_49 = vector.extract_strided_slice %add3A {offsets = [0, 320], sizes = [256, 64], strides = [1, 1]} : vector<256x2048xf32> to vector<256x64xf32>
    %reduce_sum3A_50 = arith.constant dense<0.000000e+00> : vector<64xf32>
    %reduce_sum3A_51 = vector.multi_reduction <add>, %slice3A_49, %reduce_sum3A_50 [0] : vector<256x64xf32> to vector<64xf32>
    %add3A_52 = arith.addf %add3A_44, %reduce_sum3A_51 : vector<64xf32>
    %mul3A_53 = arith.mulf %slice3A_49, %slice3A_49 : vector<256x64xf32>
    %reduce_sum3A_54 = arith.constant dense<0.000000e+00> : vector<64xf32>
    %reduce_sum3A_55 = vector.multi_reduction <add>, %mul3A_53, %reduce_sum3A_54 [0] : vector<256x64xf32> to vector<64xf32>
    %add3A_56 = arith.addf %add3A_48, %reduce_sum3A_55 : vector<64xf32>
    %slice3A_57 = vector.extract_strided_slice %add3A {offsets = [0, 384], sizes = [256, 64], strides = [1, 1]} : vector<256x2048xf32> to vector<256x64xf32>
    %reduce_sum3A_58 = arith.constant dense<0.000000e+00> : vector<64xf32>
    %reduce_sum3A_59 = vector.multi_reduction <add>, %slice3A_57, %reduce_sum3A_58 [0] : vector<256x64xf32> to vector<64xf32>
    %add3A_60 = arith.addf %add3A_52, %reduce_sum3A_59 : vector<64xf32>
    %mul3A_61 = arith.mulf %slice3A_57, %slice3A_57 : vector<256x64xf32>
    %reduce_sum3A_62 = arith.constant dense<0.000000e+00> : vector<64xf32>
    %reduce_sum3A_63 = vector.multi_reduction <add>, %mul3A_61, %reduce_sum3A_62 [0] : vector<256x64xf32> to vector<64xf32>
    %add3A_64 = arith.addf %add3A_56, %reduce_sum3A_63 : vector<64xf32>
    %slice3A_65 = vector.extract_strided_slice %add3A {offsets = [0, 448], sizes = [256, 64], strides = [1, 1]} : vector<256x2048xf32> to vector<256x64xf32>
    %reduce_sum3A_66 = arith.constant dense<0.000000e+00> : vector<64xf32>
    %reduce_sum3A_67 = vector.multi_reduction <add>, %slice3A_65, %reduce_sum3A_66 [0] : vector<256x64xf32> to vector<64xf32>
    %add3A_68 = arith.addf %add3A_60, %reduce_sum3A_67 : vector<64xf32>
    %mul3A_69 = arith.mulf %slice3A_65, %slice3A_65 : vector<256x64xf32>
    %reduce_sum3A_70 = arith.constant dense<0.000000e+00> : vector<64xf32>
    %reduce_sum3A_71 = vector.multi_reduction <add>, %mul3A_69, %reduce_sum3A_70 [0] : vector<256x64xf32> to vector<64xf32>
    %add3A_72 = arith.addf %add3A_64, %reduce_sum3A_71 : vector<64xf32>
    %slice3A_73 = vector.extract_strided_slice %add3A {offsets = [0, 512], sizes = [256, 64], strides = [1, 1]} : vector<256x2048xf32> to vector<256x64xf32>
    %reduce_sum3A_74 = arith.constant dense<0.000000e+00> : vector<64xf32>
    %reduce_sum3A_75 = vector.multi_reduction <add>, %slice3A_73, %reduce_sum3A_74 [0] : vector<256x64xf32> to vector<64xf32>
    %add3A_76 = arith.addf %add3A_68, %reduce_sum3A_75 : vector<64xf32>
    %mul3A_77 = arith.mulf %slice3A_73, %slice3A_73 : vector<256x64xf32>
    %reduce_sum3A_78 = arith.constant dense<0.000000e+00> : vector<64xf32>
    %reduce_sum3A_79 = vector.multi_reduction <add>, %mul3A_77, %reduce_sum3A_78 [0] : vector<256x64xf32> to vector<64xf32>
    %add3A_80 = arith.addf %add3A_72, %reduce_sum3A_79 : vector<64xf32>
    %slice3A_81 = vector.extract_strided_slice %add3A {offsets = [0, 576], sizes = [256, 64], strides = [1, 1]} : vector<256x2048xf32> to vector<256x64xf32>
    %reduce_sum3A_82 = arith.constant dense<0.000000e+00> : vector<64xf32>
    %reduce_sum3A_83 = vector.multi_reduction <add>, %slice3A_81, %reduce_sum3A_82 [0] : vector<256x64xf32> to vector<64xf32>
    %add3A_84 = arith.addf %add3A_76, %reduce_sum3A_83 : vector<64xf32>
    %mul3A_85 = arith.mulf %slice3A_81, %slice3A_81 : vector<256x64xf32>
    %reduce_sum3A_86 = arith.constant dense<0.000000e+00> : vector<64xf32>
    %reduce_sum3A_87 = vector.multi_reduction <add>, %mul3A_85, %reduce_sum3A_86 [0] : vector<256x64xf32> to vector<64xf32>
    %add3A_88 = arith.addf %add3A_80, %reduce_sum3A_87 : vector<64xf32>
    %slice3A_89 = vector.extract_strided_slice %add3A {offsets = [0, 640], sizes = [256, 64], strides = [1, 1]} : vector<256x2048xf32> to vector<256x64xf32>
    %reduce_sum3A_90 = arith.constant dense<0.000000e+00> : vector<64xf32>
    %reduce_sum3A_91 = vector.multi_reduction <add>, %slice3A_89, %reduce_sum3A_90 [0] : vector<256x64xf32> to vector<64xf32>
    %add3A_92 = arith.addf %add3A_84, %reduce_sum3A_91 : vector<64xf32>
    %mul3A_93 = arith.mulf %slice3A_89, %slice3A_89 : vector<256x64xf32>
    %reduce_sum3A_94 = arith.constant dense<0.000000e+00> : vector<64xf32>
    %reduce_sum3A_95 = vector.multi_reduction <add>, %mul3A_93, %reduce_sum3A_94 [0] : vector<256x64xf32> to vector<64xf32>
    %add3A_96 = arith.addf %add3A_88, %reduce_sum3A_95 : vector<64xf32>
    %slice3A_97 = vector.extract_strided_slice %add3A {offsets = [0, 704], sizes = [256, 64], strides = [1, 1]} : vector<256x2048xf32> to vector<256x64xf32>
    %reduce_sum3A_98 = arith.constant dense<0.000000e+00> : vector<64xf32>
    %reduce_sum3A_99 = vector.multi_reduction <add>, %slice3A_97, %reduce_sum3A_98 [0] : vector<256x64xf32> to vector<64xf32>
    %add3A_100 = arith.addf %add3A_92, %reduce_sum3A_99 : vector<64xf32>
    %mul3A_101 = arith.mulf %slice3A_97, %slice3A_97 : vector<256x64xf32>
    %reduce_sum3A_102 = arith.constant dense<0.000000e+00> : vector<64xf32>
    %reduce_sum3A_103 = vector.multi_reduction <add>, %mul3A_101, %reduce_sum3A_102 [0] : vector<256x64xf32> to vector<64xf32>
    %add3A_104 = arith.addf %add3A_96, %reduce_sum3A_103 : vector<64xf32>
    %slice3A_105 = vector.extract_strided_slice %add3A {offsets = [0, 768], sizes = [256, 64], strides = [1, 1]} : vector<256x2048xf32> to vector<256x64xf32>
    %reduce_sum3A_106 = arith.constant dense<0.000000e+00> : vector<64xf32>
    %reduce_sum3A_107 = vector.multi_reduction <add>, %slice3A_105, %reduce_sum3A_106 [0] : vector<256x64xf32> to vector<64xf32>
    %add3A_108 = arith.addf %add3A_100, %reduce_sum3A_107 : vector<64xf32>
    %mul3A_109 = arith.mulf %slice3A_105, %slice3A_105 : vector<256x64xf32>
    %reduce_sum3A_110 = arith.constant dense<0.000000e+00> : vector<64xf32>
    %reduce_sum3A_111 = vector.multi_reduction <add>, %mul3A_109, %reduce_sum3A_110 [0] : vector<256x64xf32> to vector<64xf32>
    %add3A_112 = arith.addf %add3A_104, %reduce_sum3A_111 : vector<64xf32>
    %slice3A_113 = vector.extract_strided_slice %add3A {offsets = [0, 832], sizes = [256, 64], strides = [1, 1]} : vector<256x2048xf32> to vector<256x64xf32>
    %reduce_sum3A_114 = arith.constant dense<0.000000e+00> : vector<64xf32>
    %reduce_sum3A_115 = vector.multi_reduction <add>, %slice3A_113, %reduce_sum3A_114 [0] : vector<256x64xf32> to vector<64xf32>
    %add3A_116 = arith.addf %add3A_108, %reduce_sum3A_115 : vector<64xf32>
    %mul3A_117 = arith.mulf %slice3A_113, %slice3A_113 : vector<256x64xf32>
    %reduce_sum3A_118 = arith.constant dense<0.000000e+00> : vector<64xf32>
    %reduce_sum3A_119 = vector.multi_reduction <add>, %mul3A_117, %reduce_sum3A_118 [0] : vector<256x64xf32> to vector<64xf32>
    %add3A_120 = arith.addf %add3A_112, %reduce_sum3A_119 : vector<64xf32>
    %slice3A_121 = vector.extract_strided_slice %add3A {offsets = [0, 896], sizes = [256, 64], strides = [1, 1]} : vector<256x2048xf32> to vector<256x64xf32>
    %reduce_sum3A_122 = arith.constant dense<0.000000e+00> : vector<64xf32>
    %reduce_sum3A_123 = vector.multi_reduction <add>, %slice3A_121, %reduce_sum3A_122 [0] : vector<256x64xf32> to vector<64xf32>
    %add3A_124 = arith.addf %add3A_116, %reduce_sum3A_123 : vector<64xf32>
    %mul3A_125 = arith.mulf %slice3A_121, %slice3A_121 : vector<256x64xf32>
    %reduce_sum3A_126 = arith.constant dense<0.000000e+00> : vector<64xf32>
    %reduce_sum3A_127 = vector.multi_reduction <add>, %mul3A_125, %reduce_sum3A_126 [0] : vector<256x64xf32> to vector<64xf32>
    %add3A_128 = arith.addf %add3A_120, %reduce_sum3A_127 : vector<64xf32>
    %slice3A_129 = vector.extract_strided_slice %add3A {offsets = [0, 960], sizes = [256, 64], strides = [1, 1]} : vector<256x2048xf32> to vector<256x64xf32>
    %reduce_sum3A_130 = arith.constant dense<0.000000e+00> : vector<64xf32>
    %reduce_sum3A_131 = vector.multi_reduction <add>, %slice3A_129, %reduce_sum3A_130 [0] : vector<256x64xf32> to vector<64xf32>
    %add3A_132 = arith.addf %add3A_124, %reduce_sum3A_131 : vector<64xf32>
    %mul3A_133 = arith.mulf %slice3A_129, %slice3A_129 : vector<256x64xf32>
    %reduce_sum3A_134 = arith.constant dense<0.000000e+00> : vector<64xf32>
    %reduce_sum3A_135 = vector.multi_reduction <add>, %mul3A_133, %reduce_sum3A_134 [0] : vector<256x64xf32> to vector<64xf32>
    %add3A_136 = arith.addf %add3A_128, %reduce_sum3A_135 : vector<64xf32>
    %slice3A_137 = vector.extract_strided_slice %add3A {offsets = [0, 1024], sizes = [256, 64], strides = [1, 1]} : vector<256x2048xf32> to vector<256x64xf32>
    %reduce_sum3A_138 = arith.constant dense<0.000000e+00> : vector<64xf32>
    %reduce_sum3A_139 = vector.multi_reduction <add>, %slice3A_137, %reduce_sum3A_138 [0] : vector<256x64xf32> to vector<64xf32>
    %add3A_140 = arith.addf %add3A_132, %reduce_sum3A_139 : vector<64xf32>
    %mul3A_141 = arith.mulf %slice3A_137, %slice3A_137 : vector<256x64xf32>
    %reduce_sum3A_142 = arith.constant dense<0.000000e+00> : vector<64xf32>
    %reduce_sum3A_143 = vector.multi_reduction <add>, %mul3A_141, %reduce_sum3A_142 [0] : vector<256x64xf32> to vector<64xf32>
    %add3A_144 = arith.addf %add3A_136, %reduce_sum3A_143 : vector<64xf32>
    %slice3A_145 = vector.extract_strided_slice %add3A {offsets = [0, 1088], sizes = [256, 64], strides = [1, 1]} : vector<256x2048xf32> to vector<256x64xf32>
    %reduce_sum3A_146 = arith.constant dense<0.000000e+00> : vector<64xf32>
    %reduce_sum3A_147 = vector.multi_reduction <add>, %slice3A_145, %reduce_sum3A_146 [0] : vector<256x64xf32> to vector<64xf32>
    %add3A_148 = arith.addf %add3A_140, %reduce_sum3A_147 : vector<64xf32>
    %mul3A_149 = arith.mulf %slice3A_145, %slice3A_145 : vector<256x64xf32>
    %reduce_sum3A_150 = arith.constant dense<0.000000e+00> : vector<64xf32>
    %reduce_sum3A_151 = vector.multi_reduction <add>, %mul3A_149, %reduce_sum3A_150 [0] : vector<256x64xf32> to vector<64xf32>
    %add3A_152 = arith.addf %add3A_144, %reduce_sum3A_151 : vector<64xf32>
    %slice3A_153 = vector.extract_strided_slice %add3A {offsets = [0, 1152], sizes = [256, 64], strides = [1, 1]} : vector<256x2048xf32> to vector<256x64xf32>
    %reduce_sum3A_154 = arith.constant dense<0.000000e+00> : vector<64xf32>
    %reduce_sum3A_155 = vector.multi_reduction <add>, %slice3A_153, %reduce_sum3A_154 [0] : vector<256x64xf32> to vector<64xf32>
    %add3A_156 = arith.addf %add3A_148, %reduce_sum3A_155 : vector<64xf32>
    %mul3A_157 = arith.mulf %slice3A_153, %slice3A_153 : vector<256x64xf32>
    %reduce_sum3A_158 = arith.constant dense<0.000000e+00> : vector<64xf32>
    %reduce_sum3A_159 = vector.multi_reduction <add>, %mul3A_157, %reduce_sum3A_158 [0] : vector<256x64xf32> to vector<64xf32>
    %add3A_160 = arith.addf %add3A_152, %reduce_sum3A_159 : vector<64xf32>
    %slice3A_161 = vector.extract_strided_slice %add3A {offsets = [0, 1216], sizes = [256, 64], strides = [1, 1]} : vector<256x2048xf32> to vector<256x64xf32>
    %reduce_sum3A_162 = arith.constant dense<0.000000e+00> : vector<64xf32>
    %reduce_sum3A_163 = vector.multi_reduction <add>, %slice3A_161, %reduce_sum3A_162 [0] : vector<256x64xf32> to vector<64xf32>
    %add3A_164 = arith.addf %add3A_156, %reduce_sum3A_163 : vector<64xf32>
    %mul3A_165 = arith.mulf %slice3A_161, %slice3A_161 : vector<256x64xf32>
    %reduce_sum3A_166 = arith.constant dense<0.000000e+00> : vector<64xf32>
    %reduce_sum3A_167 = vector.multi_reduction <add>, %mul3A_165, %reduce_sum3A_166 [0] : vector<256x64xf32> to vector<64xf32>
    %add3A_168 = arith.addf %add3A_160, %reduce_sum3A_167 : vector<64xf32>
    %slice3A_169 = vector.extract_strided_slice %add3A {offsets = [0, 1280], sizes = [256, 64], strides = [1, 1]} : vector<256x2048xf32> to vector<256x64xf32>
    %reduce_sum3A_170 = arith.constant dense<0.000000e+00> : vector<64xf32>
    %reduce_sum3A_171 = vector.multi_reduction <add>, %slice3A_169, %reduce_sum3A_170 [0] : vector<256x64xf32> to vector<64xf32>
    %add3A_172 = arith.addf %add3A_164, %reduce_sum3A_171 : vector<64xf32>
    %mul3A_173 = arith.mulf %slice3A_169, %slice3A_169 : vector<256x64xf32>
    %reduce_sum3A_174 = arith.constant dense<0.000000e+00> : vector<64xf32>
    %reduce_sum3A_175 = vector.multi_reduction <add>, %mul3A_173, %reduce_sum3A_174 [0] : vector<256x64xf32> to vector<64xf32>
    %add3A_176 = arith.addf %add3A_168, %reduce_sum3A_175 : vector<64xf32>
    %slice3A_177 = vector.extract_strided_slice %add3A {offsets = [0, 1344], sizes = [256, 64], strides = [1, 1]} : vector<256x2048xf32> to vector<256x64xf32>
    %reduce_sum3A_178 = arith.constant dense<0.000000e+00> : vector<64xf32>
    %reduce_sum3A_179 = vector.multi_reduction <add>, %slice3A_177, %reduce_sum3A_178 [0] : vector<256x64xf32> to vector<64xf32>
    %add3A_180 = arith.addf %add3A_172, %reduce_sum3A_179 : vector<64xf32>
    %mul3A_181 = arith.mulf %slice3A_177, %slice3A_177 : vector<256x64xf32>
    %reduce_sum3A_182 = arith.constant dense<0.000000e+00> : vector<64xf32>
    %reduce_sum3A_183 = vector.multi_reduction <add>, %mul3A_181, %reduce_sum3A_182 [0] : vector<256x64xf32> to vector<64xf32>
    %add3A_184 = arith.addf %add3A_176, %reduce_sum3A_183 : vector<64xf32>
    %slice3A_185 = vector.extract_strided_slice %add3A {offsets = [0, 1408], sizes = [256, 64], strides = [1, 1]} : vector<256x2048xf32> to vector<256x64xf32>
    %reduce_sum3A_186 = arith.constant dense<0.000000e+00> : vector<64xf32>
    %reduce_sum3A_187 = vector.multi_reduction <add>, %slice3A_185, %reduce_sum3A_186 [0] : vector<256x64xf32> to vector<64xf32>
    %add3A_188 = arith.addf %add3A_180, %reduce_sum3A_187 : vector<64xf32>
    %mul3A_189 = arith.mulf %slice3A_185, %slice3A_185 : vector<256x64xf32>
    %reduce_sum3A_190 = arith.constant dense<0.000000e+00> : vector<64xf32>
    %reduce_sum3A_191 = vector.multi_reduction <add>, %mul3A_189, %reduce_sum3A_190 [0] : vector<256x64xf32> to vector<64xf32>
    %add3A_192 = arith.addf %add3A_184, %reduce_sum3A_191 : vector<64xf32>
    %slice3A_193 = vector.extract_strided_slice %add3A {offsets = [0, 1472], sizes = [256, 64], strides = [1, 1]} : vector<256x2048xf32> to vector<256x64xf32>
    %reduce_sum3A_194 = arith.constant dense<0.000000e+00> : vector<64xf32>
    %reduce_sum3A_195 = vector.multi_reduction <add>, %slice3A_193, %reduce_sum3A_194 [0] : vector<256x64xf32> to vector<64xf32>
    %add3A_196 = arith.addf %add3A_188, %reduce_sum3A_195 : vector<64xf32>
    %mul3A_197 = arith.mulf %slice3A_193, %slice3A_193 : vector<256x64xf32>
    %reduce_sum3A_198 = arith.constant dense<0.000000e+00> : vector<64xf32>
    %reduce_sum3A_199 = vector.multi_reduction <add>, %mul3A_197, %reduce_sum3A_198 [0] : vector<256x64xf32> to vector<64xf32>
    %add3A_200 = arith.addf %add3A_192, %reduce_sum3A_199 : vector<64xf32>
    %slice3A_201 = vector.extract_strided_slice %add3A {offsets = [0, 1536], sizes = [256, 64], strides = [1, 1]} : vector<256x2048xf32> to vector<256x64xf32>
    %reduce_sum3A_202 = arith.constant dense<0.000000e+00> : vector<64xf32>
    %reduce_sum3A_203 = vector.multi_reduction <add>, %slice3A_201, %reduce_sum3A_202 [0] : vector<256x64xf32> to vector<64xf32>
    %add3A_204 = arith.addf %add3A_196, %reduce_sum3A_203 : vector<64xf32>
    %mul3A_205 = arith.mulf %slice3A_201, %slice3A_201 : vector<256x64xf32>
    %reduce_sum3A_206 = arith.constant dense<0.000000e+00> : vector<64xf32>
    %reduce_sum3A_207 = vector.multi_reduction <add>, %mul3A_205, %reduce_sum3A_206 [0] : vector<256x64xf32> to vector<64xf32>
    %add3A_208 = arith.addf %add3A_200, %reduce_sum3A_207 : vector<64xf32>
    %slice3A_209 = vector.extract_strided_slice %add3A {offsets = [0, 1600], sizes = [256, 64], strides = [1, 1]} : vector<256x2048xf32> to vector<256x64xf32>
    %reduce_sum3A_210 = arith.constant dense<0.000000e+00> : vector<64xf32>
    %reduce_sum3A_211 = vector.multi_reduction <add>, %slice3A_209, %reduce_sum3A_210 [0] : vector<256x64xf32> to vector<64xf32>
    %add3A_212 = arith.addf %add3A_204, %reduce_sum3A_211 : vector<64xf32>
    %mul3A_213 = arith.mulf %slice3A_209, %slice3A_209 : vector<256x64xf32>
    %reduce_sum3A_214 = arith.constant dense<0.000000e+00> : vector<64xf32>
    %reduce_sum3A_215 = vector.multi_reduction <add>, %mul3A_213, %reduce_sum3A_214 [0] : vector<256x64xf32> to vector<64xf32>
    %add3A_216 = arith.addf %add3A_208, %reduce_sum3A_215 : vector<64xf32>
    %slice3A_217 = vector.extract_strided_slice %add3A {offsets = [0, 1664], sizes = [256, 64], strides = [1, 1]} : vector<256x2048xf32> to vector<256x64xf32>
    %reduce_sum3A_218 = arith.constant dense<0.000000e+00> : vector<64xf32>
    %reduce_sum3A_219 = vector.multi_reduction <add>, %slice3A_217, %reduce_sum3A_218 [0] : vector<256x64xf32> to vector<64xf32>
    %add3A_220 = arith.addf %add3A_212, %reduce_sum3A_219 : vector<64xf32>
    %mul3A_221 = arith.mulf %slice3A_217, %slice3A_217 : vector<256x64xf32>
    %reduce_sum3A_222 = arith.constant dense<0.000000e+00> : vector<64xf32>
    %reduce_sum3A_223 = vector.multi_reduction <add>, %mul3A_221, %reduce_sum3A_222 [0] : vector<256x64xf32> to vector<64xf32>
    %add3A_224 = arith.addf %add3A_216, %reduce_sum3A_223 : vector<64xf32>
    %slice3A_225 = vector.extract_strided_slice %add3A {offsets = [0, 1728], sizes = [256, 64], strides = [1, 1]} : vector<256x2048xf32> to vector<256x64xf32>
    %reduce_sum3A_226 = arith.constant dense<0.000000e+00> : vector<64xf32>
    %reduce_sum3A_227 = vector.multi_reduction <add>, %slice3A_225, %reduce_sum3A_226 [0] : vector<256x64xf32> to vector<64xf32>
    %add3A_228 = arith.addf %add3A_220, %reduce_sum3A_227 : vector<64xf32>
    %mul3A_229 = arith.mulf %slice3A_225, %slice3A_225 : vector<256x64xf32>
    %reduce_sum3A_230 = arith.constant dense<0.000000e+00> : vector<64xf32>
    %reduce_sum3A_231 = vector.multi_reduction <add>, %mul3A_229, %reduce_sum3A_230 [0] : vector<256x64xf32> to vector<64xf32>
    %add3A_232 = arith.addf %add3A_224, %reduce_sum3A_231 : vector<64xf32>
    %slice3A_233 = vector.extract_strided_slice %add3A {offsets = [0, 1792], sizes = [256, 64], strides = [1, 1]} : vector<256x2048xf32> to vector<256x64xf32>
    %reduce_sum3A_234 = arith.constant dense<0.000000e+00> : vector<64xf32>
    %reduce_sum3A_235 = vector.multi_reduction <add>, %slice3A_233, %reduce_sum3A_234 [0] : vector<256x64xf32> to vector<64xf32>
    %add3A_236 = arith.addf %add3A_228, %reduce_sum3A_235 : vector<64xf32>
    %mul3A_237 = arith.mulf %slice3A_233, %slice3A_233 : vector<256x64xf32>
    %reduce_sum3A_238 = arith.constant dense<0.000000e+00> : vector<64xf32>
    %reduce_sum3A_239 = vector.multi_reduction <add>, %mul3A_237, %reduce_sum3A_238 [0] : vector<256x64xf32> to vector<64xf32>
    %add3A_240 = arith.addf %add3A_232, %reduce_sum3A_239 : vector<64xf32>
    %slice3A_241 = vector.extract_strided_slice %add3A {offsets = [0, 1856], sizes = [256, 64], strides = [1, 1]} : vector<256x2048xf32> to vector<256x64xf32>
    %reduce_sum3A_242 = arith.constant dense<0.000000e+00> : vector<64xf32>
    %reduce_sum3A_243 = vector.multi_reduction <add>, %slice3A_241, %reduce_sum3A_242 [0] : vector<256x64xf32> to vector<64xf32>
    %add3A_244 = arith.addf %add3A_236, %reduce_sum3A_243 : vector<64xf32>
    %mul3A_245 = arith.mulf %slice3A_241, %slice3A_241 : vector<256x64xf32>
    %reduce_sum3A_246 = arith.constant dense<0.000000e+00> : vector<64xf32>
    %reduce_sum3A_247 = vector.multi_reduction <add>, %mul3A_245, %reduce_sum3A_246 [0] : vector<256x64xf32> to vector<64xf32>
    %add3A_248 = arith.addf %add3A_240, %reduce_sum3A_247 : vector<64xf32>
    %slice3A_249 = vector.extract_strided_slice %add3A {offsets = [0, 1920], sizes = [256, 64], strides = [1, 1]} : vector<256x2048xf32> to vector<256x64xf32>
    %reduce_sum3A_250 = arith.constant dense<0.000000e+00> : vector<64xf32>
    %reduce_sum3A_251 = vector.multi_reduction <add>, %slice3A_249, %reduce_sum3A_250 [0] : vector<256x64xf32> to vector<64xf32>
    %add3A_252 = arith.addf %add3A_244, %reduce_sum3A_251 : vector<64xf32>
    %mul3A_253 = arith.mulf %slice3A_249, %slice3A_249 : vector<256x64xf32>
    %reduce_sum3A_254 = arith.constant dense<0.000000e+00> : vector<64xf32>
    %reduce_sum3A_255 = vector.multi_reduction <add>, %mul3A_253, %reduce_sum3A_254 [0] : vector<256x64xf32> to vector<64xf32>
    %add3A_256 = arith.addf %add3A_248, %reduce_sum3A_255 : vector<64xf32>
    %slice3A_257 = vector.extract_strided_slice %add3A {offsets = [0, 1984], sizes = [256, 64], strides = [1, 1]} : vector<256x2048xf32> to vector<256x64xf32>
    %reduce_sum3A_258 = arith.constant dense<0.000000e+00> : vector<64xf32>
    %reduce_sum3A_259 = vector.multi_reduction <add>, %slice3A_257, %reduce_sum3A_258 [0] : vector<256x64xf32> to vector<64xf32>
    %add3A_260 = arith.addf %add3A_252, %reduce_sum3A_259 : vector<64xf32>
    %mul3A_261 = arith.mulf %slice3A_257, %slice3A_257 : vector<256x64xf32>
    %reduce_sum3A_262 = arith.constant dense<0.000000e+00> : vector<64xf32>
    %reduce_sum3A_263 = vector.multi_reduction <add>, %mul3A_261, %reduce_sum3A_262 [0] : vector<256x64xf32> to vector<64xf32>
    %add3A_264 = arith.addf %add3A_256, %reduce_sum3A_263 : vector<64xf32>
    %eq3A = arith.constant 0 : i32
    %eq3A_265 = arith.cmpi eq, %arg0, %eq3A : i32
    %eq3A_266 = arith.constant 0 : i32
    %eq3A_267 = arith.cmpi eq, %arg1, %eq3A_266 : i32
    %and3A = arith.andi %eq3A_265, %eq3A_267 : i1
    %convert_element_type3A = arith.extui %and3A : i1 to i32
    %cond3A = arith.constant 0 : i32
    %cond3A_268 = arith.cmpi ne, %convert_element_type3A, %cond3A : i32
    scf.if %cond3A_268 {
      %broadcast_in_dim3A_288 = arith.constant 0.000000e+00 : f32
      %broadcast_in_dim3A_289 = vector.broadcast %broadcast_in_dim3A_288 : f32 to vector<8x64xf32>
      %swap3A_290 = arith.constant 0 : index
      %swap3A_291 = arith.constant 0 : index
      %swap3A_292 = vector.load %arg4[%swap3A_290, %swap3A_291] : memref<8x64xf32, #tpu.memory_space<vmem>>, vector<8x64xf32>
      tpu.vector_store %arg4[%swap3A_290, %swap3A_291], %broadcast_in_dim3A_289 {strides = array<i32>} : memref<8x64xf32, #tpu.memory_space<vmem>>, vector<8x64xf32>,
      %broadcast_in_dim3A_293 = arith.constant 0.000000e+00 : f32
      %broadcast_in_dim3A_294 = vector.broadcast %broadcast_in_dim3A_293 : f32 to vector<8x64xf32>
      %swap3A_295 = arith.constant 0 : index
      %swap3A_296 = arith.constant 0 : index
      %swap3A_297 = vector.load %arg5[%swap3A_295, %swap3A_296] : memref<8x64xf32, #tpu.memory_space<vmem>>, vector<8x64xf32>
      tpu.vector_store %arg5[%swap3A_295, %swap3A_296], %broadcast_in_dim3A_294 {strides = array<i32>} : memref<8x64xf32, #tpu.memory_space<vmem>>, vector<8x64xf32>,
    } else {
    }
    %get3A_269 = arith.constant 0 : index
    %get3A_270 = arith.constant 0 : index
    %get3A_271 = vector.load %arg4[%get3A_269, %get3A_270] : memref<8x64xf32, #tpu.memory_space<vmem>>, vector<8x64xf32>
    %broadcast_in_dim3A_272 = vector.shape_cast %add3A_260 : vector<64xf32> to vector<1x64xf32>
    %broadcast_in_dim3A_273 = vector.shape_cast %broadcast_in_dim3A_272 : vector<1x64xf32> to vector<1x64xf32>
    %broadcast_in_dim3A_274 = vector.broadcast %broadcast_in_dim3A_273 : vector<1x64xf32> to vector<8x64xf32>
    %add3A_275 = arith.addf %get3A_271, %broadcast_in_dim3A_274 : vector<8x64xf32>
    %swap3A = arith.constant 0 : index
    %swap3A_276 = arith.constant 0 : index
    %swap3A_277 = vector.load %arg4[%swap3A, %swap3A_276] : memref<8x64xf32, #tpu.memory_space<vmem>>, vector<8x64xf32>
    tpu.vector_store %arg4[%swap3A, %swap3A_276], %add3A_275 {strides = array<i32>} : memref<8x64xf32, #tpu.memory_space<vmem>>, vector<8x64xf32>,
    %get3A_278 = arith.constant 0 : index
    %get3A_279 = arith.constant 0 : index
    %get3A_280 = vector.load %arg5[%get3A_278, %get3A_279] : memref<8x64xf32, #tpu.memory_space<vmem>>, vector<8x64xf32>
    %broadcast_in_dim3A_281 = vector.shape_cast %add3A_264 : vector<64xf32> to vector<1x64xf32>
    %broadcast_in_dim3A_282 = vector.shape_cast %broadcast_in_dim3A_281 : vector<1x64xf32> to vector<1x64xf32>
    %broadcast_in_dim3A_283 = vector.broadcast %broadcast_in_dim3A_282 : vector<1x64xf32> to vector<8x64xf32>
    %add3A_284 = arith.addf %get3A_280, %broadcast_in_dim3A_283 : vector<8x64xf32>
    %swap3A_285 = arith.constant 0 : index
    %swap3A_286 = arith.constant 0 : index
    %swap3A_287 = vector.load %arg5[%swap3A_285, %swap3A_286] : memref<8x64xf32, #tpu.memory_space<vmem>>, vector<8x64xf32>
    tpu.vector_store %arg5[%swap3A_285, %swap3A_286], %add3A_284 {strides = array<i32>} : memref<8x64xf32, #tpu.memory_space<vmem>>, vector<8x64xf32>,
    return
  }
  func.func @transform_0(%arg0: i32, %arg1: i32) -> (i32, i32, i32) {
    %c0_i32 = arith.constant 0 : i32
    %c0_i32_0 = arith.constant 0 : i32
    return %arg0, %arg1, %c0_i32 : i32, i32, i32
  }
  func.func @transform_1(%arg0: i32, %arg1: i32) -> (i32, i32, i32) {
    %c0_i32 = arith.constant 0 : i32
    %c0_i32_0 = arith.constant 0 : i32
    return %arg0, %arg1, %c0_i32 : i32, i32, i32
  }
  func.func @transform_2(%arg0: i32, %arg1: i32) -> (i32, i32) {
    %c0_i32 = arith.constant 0 : i32
    %c0_i32_0 = arith.constant 0 : i32
    %c0_i32_1 = arith.constant 0 : i32
    return %c0_i32, %c0_i32_0 : i32, i32
  }
  func.func @transform_3(%arg0: i32, %arg1: i32) -> (i32, i32) {
    %c0_i32 = arith.constant 0 : i32
    %c0_i32_0 = arith.constant 0 : i32
    %c0_i32_1 = arith.constant 0 : i32
    return %c0_i32, %c0_i32_0 : i32, i32
  }
}

module attributes {stable_mosaic.version = 14 : i64} {
  func.func @_pass2_body(%arg0: i32, %arg1: i32, %arg2: memref<1x256x2048xf32, #tpu.memory_space<vmem>>, %arg3: memref<1x256x64xf32, #tpu.memory_space<vmem>>, %arg4: memref<1x2048xf32, #tpu.memory_space<vmem>>, %arg5: memref<1x2048xf32, #tpu.memory_space<vmem>>, %arg6: memref<64x64xf32, #tpu.memory_space<vmem>>, %arg7: memref<1x256x64xf32, #tpu.memory_space<vmem>>, %arg8: memref<1x256x64xf32, #tpu.memory_space<vmem>>, %arg9: memref<8x64xf32, #tpu.memory_space<vmem>>, %arg10: memref<8x64xf32, #tpu.memory_space<vmem>>) attributes {dimension_semantics = [#tpu.dimension_semantics<arbitrary>, #tpu.dimension_semantics<arbitrary>], iteration_bounds = array<i64: 8, 8>, scalar_prefetch = 0 : i64, scratch_operands = 0 : i64, tpu.core_type = #tpu.core_type<tc>, window_params = [{transform_indices = @transform_0, window_bounds = array<i64: 1, 256, 2048>}, {transform_indices = @transform_1, window_bounds = array<i64: 1, 256, 64>}, {pipeline_mode = #tpu.pipeline_mode<synchronous>, transform_indices = @transform_2, window_bounds = array<i64: 1, 2048>}, {pipeline_mode = #tpu.pipeline_mode<synchronous>, transform_indices = @transform_3, window_bounds = array<i64: 1, 2048>}, {pipeline_mode = #tpu.pipeline_mode<synchronous>, transform_indices = @transform_4, window_bounds = array<i64: 64, 64>}, {transform_indices = @transform_5, window_bounds = array<i64: 1, 256, 64>}, {transform_indices = @transform_6, window_bounds = array<i64: 1, 256, 64>}, {pipeline_mode = #tpu.pipeline_mode<synchronous>, transform_indices = @transform_7, window_bounds = array<i64: 8, 64>}, {pipeline_mode = #tpu.pipeline_mode<synchronous>, transform_indices = @transform_8, window_bounds = array<i64: 8, 64>}]} {
    %get3A = arith.constant 0 : index
    %get3A_0 = arith.constant 0 : index
    %get3A_1 = arith.constant 0 : index
    %get3A_2 = vector.load %arg3[%get3A, %get3A_0, %get3A_1] : memref<1x256x64xf32, #tpu.memory_space<vmem>>, vector<1x256x64xf32>
    %get3A_3 = vector.shape_cast %get3A_2 : vector<1x256x64xf32> to vector<256x64xf32>
    %concatenate3A = tpu.concatenate %get3A_3, %get3A_3, %get3A_3, %get3A_3, %get3A_3, %get3A_3, %get3A_3, %get3A_3, %get3A_3, %get3A_3, %get3A_3, %get3A_3, %get3A_3, %get3A_3, %get3A_3, %get3A_3, %get3A_3, %get3A_3, %get3A_3, %get3A_3, %get3A_3, %get3A_3, %get3A_3, %get3A_3, %get3A_3, %get3A_3, %get3A_3, %get3A_3, %get3A_3, %get3A_3, %get3A_3, %get3A_3 in 1 : vector<256x64xf32>, vector<256x64xf32>, vector<256x64xf32>, vector<256x64xf32>, vector<256x64xf32>, vector<256x64xf32>, vector<256x64xf32>, vector<256x64xf32>, vector<256x64xf32>, vector<256x64xf32>, vector<256x64xf32>, vector<256x64xf32>, vector<256x64xf32>, vector<256x64xf32>, vector<256x64xf32>, vector<256x64xf32>, vector<256x64xf32>, vector<256x64xf32>, vector<256x64xf32>, vector<256x64xf32>, vector<256x64xf32>, vector<256x64xf32>, vector<256x64xf32>, vector<256x64xf32>, vector<256x64xf32>, vector<256x64xf32>, vector<256x64xf32>, vector<256x64xf32>, vector<256x64xf32>, vector<256x64xf32>, vector<256x64xf32>, vector<256x64xf32> -> vector<256x2048xf32>
    %get3A_4 = arith.constant 0 : index
    %get3A_5 = arith.constant 0 : index
    %get3A_6 = vector.load %arg4[%get3A_4, %get3A_5] : memref<1x2048xf32, #tpu.memory_space<vmem>>, vector<1x2048xf32>
    %get3A_7 = arith.constant 0 : index
    %get3A_8 = arith.constant 0 : index
    %get3A_9 = arith.constant 0 : index
    %get3A_10 = vector.load %arg2[%get3A_7, %get3A_8, %get3A_9] : memref<1x256x2048xf32, #tpu.memory_space<vmem>>, vector<1x256x2048xf32>
    %get3A_11 = vector.shape_cast %get3A_10 : vector<1x256x2048xf32> to vector<256x2048xf32>
    %add3A = arith.addf %get3A_11, %concatenate3A : vector<256x2048xf32>
    %mul3A = vector.broadcast %get3A_6 : vector<1x2048xf32> to vector<256x2048xf32>
    %mul3A_12 = arith.mulf %mul3A, %add3A : vector<256x2048xf32>
    %get3A_13 = arith.constant 0 : index
    %get3A_14 = arith.constant 0 : index
    %get3A_15 = vector.load %arg5[%get3A_13, %get3A_14] : memref<1x2048xf32, #tpu.memory_space<vmem>>, vector<1x2048xf32>
    %add3A_16 = vector.broadcast %get3A_15 : vector<1x2048xf32> to vector<256x2048xf32>
    %add3A_17 = arith.addf %mul3A_12, %add3A_16 : vector<256x2048xf32>
    %ge3A = arith.constant 0.000000e+00 : f32
    %ge3A_18 = vector.broadcast %ge3A : f32 to vector<256x2048xf32>
    %ge3A_19 = arith.cmpf oge, %add3A_17, %ge3A_18 : vector<256x2048xf32>
    %mul3A_20 = arith.constant 0.00999999977 : f32
    %mul3A_21 = vector.broadcast %mul3A_20 : f32 to vector<256x2048xf32>
    %mul3A_22 = arith.mulf %mul3A_21, %add3A_17 : vector<256x2048xf32>
    %select_n3A = arith.select %ge3A_19, %add3A_17, %mul3A_22 : vector<256x2048xi1>, vector<256x2048xf32>
    %get3A_23 = arith.constant 0 : index
    %get3A_24 = arith.constant 0 : index
    %get3A_25 = vector.load %arg6[%get3A_23, %get3A_24] : memref<64x64xf32, #tpu.memory_space<vmem>>, vector<64x64xf32>
    %broadcast_in_dim3A = arith.constant 0.000000e+00 : f32
    %broadcast_in_dim3A_26 = vector.broadcast %broadcast_in_dim3A : f32 to vector<64xf32>
    %broadcast_in_dim3A_27 = arith.constant 0.000000e+00 : f32
    %broadcast_in_dim3A_28 = vector.broadcast %broadcast_in_dim3A_27 : f32 to vector<64xf32>
    %slice3A = vector.extract_strided_slice %select_n3A {offsets = [0, 0], sizes = [256, 64], strides = [1, 1]} : vector<256x2048xf32> to vector<256x64xf32>
    %dot_general3A = arith.constant dense<0.000000e+00> : vector<256x64xf32>
    %dot_general3A_29 = tpu.matmul %slice3A, %get3A_25, %dot_general3A {dimension_numbers = #tpu.dot_dimension_numbers<[1], [0], [0], [1], [0, 0, 1, 1], [], []>, transpose_lhs_hint = false} : vector<256x64xf32>, vector<64x64xf32>, vector<256x64xf32> -> vector<256x64xf32>
    %reduce_sum3A = arith.constant dense<0.000000e+00> : vector<64xf32>
    %reduce_sum3A_30 = vector.multi_reduction <add>, %dot_general3A_29, %reduce_sum3A [0] : vector<256x64xf32> to vector<64xf32>
    %add3A_31 = arith.addf %broadcast_in_dim3A_26, %reduce_sum3A_30 : vector<64xf32>
    %mul3A_32 = arith.mulf %dot_general3A_29, %dot_general3A_29 : vector<256x64xf32>
    %reduce_sum3A_33 = arith.constant dense<0.000000e+00> : vector<64xf32>
    %reduce_sum3A_34 = vector.multi_reduction <add>, %mul3A_32, %reduce_sum3A_33 [0] : vector<256x64xf32> to vector<64xf32>
    %add3A_35 = arith.addf %broadcast_in_dim3A_28, %reduce_sum3A_34 : vector<64xf32>
    %slice3A_36 = vector.extract_strided_slice %select_n3A {offsets = [0, 64], sizes = [256, 64], strides = [1, 1]} : vector<256x2048xf32> to vector<256x64xf32>
    %dot_general3A_37 = arith.constant dense<0.000000e+00> : vector<256x64xf32>
    %dot_general3A_38 = tpu.matmul %slice3A_36, %get3A_25, %dot_general3A_37 {dimension_numbers = #tpu.dot_dimension_numbers<[1], [0], [0], [1], [0, 0, 1, 1], [], []>, transpose_lhs_hint = false} : vector<256x64xf32>, vector<64x64xf32>, vector<256x64xf32> -> vector<256x64xf32>
    %reduce_sum3A_39 = arith.constant dense<0.000000e+00> : vector<64xf32>
    %reduce_sum3A_40 = vector.multi_reduction <add>, %dot_general3A_38, %reduce_sum3A_39 [0] : vector<256x64xf32> to vector<64xf32>
    %add3A_41 = arith.addf %add3A_31, %reduce_sum3A_40 : vector<64xf32>
    %mul3A_42 = arith.mulf %dot_general3A_38, %dot_general3A_38 : vector<256x64xf32>
    %reduce_sum3A_43 = arith.constant dense<0.000000e+00> : vector<64xf32>
    %reduce_sum3A_44 = vector.multi_reduction <add>, %mul3A_42, %reduce_sum3A_43 [0] : vector<256x64xf32> to vector<64xf32>
    %add3A_45 = arith.addf %add3A_35, %reduce_sum3A_44 : vector<64xf32>
    %max3A = arith.maximumf %dot_general3A_29, %dot_general3A_38 : vector<256x64xf32>
    %min3A = arith.minimumf %dot_general3A_29, %dot_general3A_38 : vector<256x64xf32>
    %slice3A_46 = vector.extract_strided_slice %select_n3A {offsets = [0, 128], sizes = [256, 64], strides = [1, 1]} : vector<256x2048xf32> to vector<256x64xf32>
    %dot_general3A_47 = arith.constant dense<0.000000e+00> : vector<256x64xf32>
    %dot_general3A_48 = tpu.matmul %slice3A_46, %get3A_25, %dot_general3A_47 {dimension_numbers = #tpu.dot_dimension_numbers<[1], [0], [0], [1], [0, 0, 1, 1], [], []>, transpose_lhs_hint = false} : vector<256x64xf32>, vector<64x64xf32>, vector<256x64xf32> -> vector<256x64xf32>
    %reduce_sum3A_49 = arith.constant dense<0.000000e+00> : vector<64xf32>
    %reduce_sum3A_50 = vector.multi_reduction <add>, %dot_general3A_48, %reduce_sum3A_49 [0] : vector<256x64xf32> to vector<64xf32>
    %add3A_51 = arith.addf %add3A_41, %reduce_sum3A_50 : vector<64xf32>
    %mul3A_52 = arith.mulf %dot_general3A_48, %dot_general3A_48 : vector<256x64xf32>
    %reduce_sum3A_53 = arith.constant dense<0.000000e+00> : vector<64xf32>
    %reduce_sum3A_54 = vector.multi_reduction <add>, %mul3A_52, %reduce_sum3A_53 [0] : vector<256x64xf32> to vector<64xf32>
    %add3A_55 = arith.addf %add3A_45, %reduce_sum3A_54 : vector<64xf32>
    %max3A_56 = arith.maximumf %max3A, %dot_general3A_48 : vector<256x64xf32>
    %min3A_57 = arith.minimumf %min3A, %dot_general3A_48 : vector<256x64xf32>
    %slice3A_58 = vector.extract_strided_slice %select_n3A {offsets = [0, 192], sizes = [256, 64], strides = [1, 1]} : vector<256x2048xf32> to vector<256x64xf32>
    %dot_general3A_59 = arith.constant dense<0.000000e+00> : vector<256x64xf32>
    %dot_general3A_60 = tpu.matmul %slice3A_58, %get3A_25, %dot_general3A_59 {dimension_numbers = #tpu.dot_dimension_numbers<[1], [0], [0], [1], [0, 0, 1, 1], [], []>, transpose_lhs_hint = false} : vector<256x64xf32>, vector<64x64xf32>, vector<256x64xf32> -> vector<256x64xf32>
    %reduce_sum3A_61 = arith.constant dense<0.000000e+00> : vector<64xf32>
    %reduce_sum3A_62 = vector.multi_reduction <add>, %dot_general3A_60, %reduce_sum3A_61 [0] : vector<256x64xf32> to vector<64xf32>
    %add3A_63 = arith.addf %add3A_51, %reduce_sum3A_62 : vector<64xf32>
    %mul3A_64 = arith.mulf %dot_general3A_60, %dot_general3A_60 : vector<256x64xf32>
    %reduce_sum3A_65 = arith.constant dense<0.000000e+00> : vector<64xf32>
    %reduce_sum3A_66 = vector.multi_reduction <add>, %mul3A_64, %reduce_sum3A_65 [0] : vector<256x64xf32> to vector<64xf32>
    %add3A_67 = arith.addf %add3A_55, %reduce_sum3A_66 : vector<64xf32>
    %max3A_68 = arith.maximumf %max3A_56, %dot_general3A_60 : vector<256x64xf32>
    %min3A_69 = arith.minimumf %min3A_57, %dot_general3A_60 : vector<256x64xf32>
    %slice3A_70 = vector.extract_strided_slice %select_n3A {offsets = [0, 256], sizes = [256, 64], strides = [1, 1]} : vector<256x2048xf32> to vector<256x64xf32>
    %dot_general3A_71 = arith.constant dense<0.000000e+00> : vector<256x64xf32>
    %dot_general3A_72 = tpu.matmul %slice3A_70, %get3A_25, %dot_general3A_71 {dimension_numbers = #tpu.dot_dimension_numbers<[1], [0], [0], [1], [0, 0, 1, 1], [], []>, transpose_lhs_hint = false} : vector<256x64xf32>, vector<64x64xf32>, vector<256x64xf32> -> vector<256x64xf32>
    %reduce_sum3A_73 = arith.constant dense<0.000000e+00> : vector<64xf32>
    %reduce_sum3A_74 = vector.multi_reduction <add>, %dot_general3A_72, %reduce_sum3A_73 [0] : vector<256x64xf32> to vector<64xf32>
    %add3A_75 = arith.addf %add3A_63, %reduce_sum3A_74 : vector<64xf32>
    %mul3A_76 = arith.mulf %dot_general3A_72, %dot_general3A_72 : vector<256x64xf32>
    %reduce_sum3A_77 = arith.constant dense<0.000000e+00> : vector<64xf32>
    %reduce_sum3A_78 = vector.multi_reduction <add>, %mul3A_76, %reduce_sum3A_77 [0] : vector<256x64xf32> to vector<64xf32>
    %add3A_79 = arith.addf %add3A_67, %reduce_sum3A_78 : vector<64xf32>
    %max3A_80 = arith.maximumf %max3A_68, %dot_general3A_72 : vector<256x64xf32>
    %min3A_81 = arith.minimumf %min3A_69, %dot_general3A_72 : vector<256x64xf32>
    %slice3A_82 = vector.extract_strided_slice %select_n3A {offsets = [0, 320], sizes = [256, 64], strides = [1, 1]} : vector<256x2048xf32> to vector<256x64xf32>
    %dot_general3A_83 = arith.constant dense<0.000000e+00> : vector<256x64xf32>
    %dot_general3A_84 = tpu.matmul %slice3A_82, %get3A_25, %dot_general3A_83 {dimension_numbers = #tpu.dot_dimension_numbers<[1], [0], [0], [1], [0, 0, 1, 1], [], []>, transpose_lhs_hint = false} : vector<256x64xf32>, vector<64x64xf32>, vector<256x64xf32> -> vector<256x64xf32>
    %reduce_sum3A_85 = arith.constant dense<0.000000e+00> : vector<64xf32>
    %reduce_sum3A_86 = vector.multi_reduction <add>, %dot_general3A_84, %reduce_sum3A_85 [0] : vector<256x64xf32> to vector<64xf32>
    %add3A_87 = arith.addf %add3A_75, %reduce_sum3A_86 : vector<64xf32>
    %mul3A_88 = arith.mulf %dot_general3A_84, %dot_general3A_84 : vector<256x64xf32>
    %reduce_sum3A_89 = arith.constant dense<0.000000e+00> : vector<64xf32>
    %reduce_sum3A_90 = vector.multi_reduction <add>, %mul3A_88, %reduce_sum3A_89 [0] : vector<256x64xf32> to vector<64xf32>
    %add3A_91 = arith.addf %add3A_79, %reduce_sum3A_90 : vector<64xf32>
    %max3A_92 = arith.maximumf %max3A_80, %dot_general3A_84 : vector<256x64xf32>
    %min3A_93 = arith.minimumf %min3A_81, %dot_general3A_84 : vector<256x64xf32>
    %slice3A_94 = vector.extract_strided_slice %select_n3A {offsets = [0, 384], sizes = [256, 64], strides = [1, 1]} : vector<256x2048xf32> to vector<256x64xf32>
    %dot_general3A_95 = arith.constant dense<0.000000e+00> : vector<256x64xf32>
    %dot_general3A_96 = tpu.matmul %slice3A_94, %get3A_25, %dot_general3A_95 {dimension_numbers = #tpu.dot_dimension_numbers<[1], [0], [0], [1], [0, 0, 1, 1], [], []>, transpose_lhs_hint = false} : vector<256x64xf32>, vector<64x64xf32>, vector<256x64xf32> -> vector<256x64xf32>
    %reduce_sum3A_97 = arith.constant dense<0.000000e+00> : vector<64xf32>
    %reduce_sum3A_98 = vector.multi_reduction <add>, %dot_general3A_96, %reduce_sum3A_97 [0] : vector<256x64xf32> to vector<64xf32>
    %add3A_99 = arith.addf %add3A_87, %reduce_sum3A_98 : vector<64xf32>
    %mul3A_100 = arith.mulf %dot_general3A_96, %dot_general3A_96 : vector<256x64xf32>
    %reduce_sum3A_101 = arith.constant dense<0.000000e+00> : vector<64xf32>
    %reduce_sum3A_102 = vector.multi_reduction <add>, %mul3A_100, %reduce_sum3A_101 [0] : vector<256x64xf32> to vector<64xf32>
    %add3A_103 = arith.addf %add3A_91, %reduce_sum3A_102 : vector<64xf32>
    %max3A_104 = arith.maximumf %max3A_92, %dot_general3A_96 : vector<256x64xf32>
    %min3A_105 = arith.minimumf %min3A_93, %dot_general3A_96 : vector<256x64xf32>
    %slice3A_106 = vector.extract_strided_slice %select_n3A {offsets = [0, 448], sizes = [256, 64], strides = [1, 1]} : vector<256x2048xf32> to vector<256x64xf32>
    %dot_general3A_107 = arith.constant dense<0.000000e+00> : vector<256x64xf32>
    %dot_general3A_108 = tpu.matmul %slice3A_106, %get3A_25, %dot_general3A_107 {dimension_numbers = #tpu.dot_dimension_numbers<[1], [0], [0], [1], [0, 0, 1, 1], [], []>, transpose_lhs_hint = false} : vector<256x64xf32>, vector<64x64xf32>, vector<256x64xf32> -> vector<256x64xf32>
    %reduce_sum3A_109 = arith.constant dense<0.000000e+00> : vector<64xf32>
    %reduce_sum3A_110 = vector.multi_reduction <add>, %dot_general3A_108, %reduce_sum3A_109 [0] : vector<256x64xf32> to vector<64xf32>
    %add3A_111 = arith.addf %add3A_99, %reduce_sum3A_110 : vector<64xf32>
    %mul3A_112 = arith.mulf %dot_general3A_108, %dot_general3A_108 : vector<256x64xf32>
    %reduce_sum3A_113 = arith.constant dense<0.000000e+00> : vector<64xf32>
    %reduce_sum3A_114 = vector.multi_reduction <add>, %mul3A_112, %reduce_sum3A_113 [0] : vector<256x64xf32> to vector<64xf32>
    %add3A_115 = arith.addf %add3A_103, %reduce_sum3A_114 : vector<64xf32>
    %max3A_116 = arith.maximumf %max3A_104, %dot_general3A_108 : vector<256x64xf32>
    %min3A_117 = arith.minimumf %min3A_105, %dot_general3A_108 : vector<256x64xf32>
    %slice3A_118 = vector.extract_strided_slice %select_n3A {offsets = [0, 512], sizes = [256, 64], strides = [1, 1]} : vector<256x2048xf32> to vector<256x64xf32>
    %dot_general3A_119 = arith.constant dense<0.000000e+00> : vector<256x64xf32>
    %dot_general3A_120 = tpu.matmul %slice3A_118, %get3A_25, %dot_general3A_119 {dimension_numbers = #tpu.dot_dimension_numbers<[1], [0], [0], [1], [0, 0, 1, 1], [], []>, transpose_lhs_hint = false} : vector<256x64xf32>, vector<64x64xf32>, vector<256x64xf32> -> vector<256x64xf32>
    %reduce_sum3A_121 = arith.constant dense<0.000000e+00> : vector<64xf32>
    %reduce_sum3A_122 = vector.multi_reduction <add>, %dot_general3A_120, %reduce_sum3A_121 [0] : vector<256x64xf32> to vector<64xf32>
    %add3A_123 = arith.addf %add3A_111, %reduce_sum3A_122 : vector<64xf32>
    %mul3A_124 = arith.mulf %dot_general3A_120, %dot_general3A_120 : vector<256x64xf32>
    %reduce_sum3A_125 = arith.constant dense<0.000000e+00> : vector<64xf32>
    %reduce_sum3A_126 = vector.multi_reduction <add>, %mul3A_124, %reduce_sum3A_125 [0] : vector<256x64xf32> to vector<64xf32>
    %add3A_127 = arith.addf %add3A_115, %reduce_sum3A_126 : vector<64xf32>
    %max3A_128 = arith.maximumf %max3A_116, %dot_general3A_120 : vector<256x64xf32>
    %min3A_129 = arith.minimumf %min3A_117, %dot_general3A_120 : vector<256x64xf32>
    %slice3A_130 = vector.extract_strided_slice %select_n3A {offsets = [0, 576], sizes = [256, 64], strides = [1, 1]} : vector<256x2048xf32> to vector<256x64xf32>
    %dot_general3A_131 = arith.constant dense<0.000000e+00> : vector<256x64xf32>
    %dot_general3A_132 = tpu.matmul %slice3A_130, %get3A_25, %dot_general3A_131 {dimension_numbers = #tpu.dot_dimension_numbers<[1], [0], [0], [1], [0, 0, 1, 1], [], []>, transpose_lhs_hint = false} : vector<256x64xf32>, vector<64x64xf32>, vector<256x64xf32> -> vector<256x64xf32>
    %reduce_sum3A_133 = arith.constant dense<0.000000e+00> : vector<64xf32>
    %reduce_sum3A_134 = vector.multi_reduction <add>, %dot_general3A_132, %reduce_sum3A_133 [0] : vector<256x64xf32> to vector<64xf32>
    %add3A_135 = arith.addf %add3A_123, %reduce_sum3A_134 : vector<64xf32>
    %mul3A_136 = arith.mulf %dot_general3A_132, %dot_general3A_132 : vector<256x64xf32>
    %reduce_sum3A_137 = arith.constant dense<0.000000e+00> : vector<64xf32>
    %reduce_sum3A_138 = vector.multi_reduction <add>, %mul3A_136, %reduce_sum3A_137 [0] : vector<256x64xf32> to vector<64xf32>
    %add3A_139 = arith.addf %add3A_127, %reduce_sum3A_138 : vector<64xf32>
    %max3A_140 = arith.maximumf %max3A_128, %dot_general3A_132 : vector<256x64xf32>
    %min3A_141 = arith.minimumf %min3A_129, %dot_general3A_132 : vector<256x64xf32>
    %slice3A_142 = vector.extract_strided_slice %select_n3A {offsets = [0, 640], sizes = [256, 64], strides = [1, 1]} : vector<256x2048xf32> to vector<256x64xf32>
    %dot_general3A_143 = arith.constant dense<0.000000e+00> : vector<256x64xf32>
    %dot_general3A_144 = tpu.matmul %slice3A_142, %get3A_25, %dot_general3A_143 {dimension_numbers = #tpu.dot_dimension_numbers<[1], [0], [0], [1], [0, 0, 1, 1], [], []>, transpose_lhs_hint = false} : vector<256x64xf32>, vector<64x64xf32>, vector<256x64xf32> -> vector<256x64xf32>
    %reduce_sum3A_145 = arith.constant dense<0.000000e+00> : vector<64xf32>
    %reduce_sum3A_146 = vector.multi_reduction <add>, %dot_general3A_144, %reduce_sum3A_145 [0] : vector<256x64xf32> to vector<64xf32>
    %add3A_147 = arith.addf %add3A_135, %reduce_sum3A_146 : vector<64xf32>
    %mul3A_148 = arith.mulf %dot_general3A_144, %dot_general3A_144 : vector<256x64xf32>
    %reduce_sum3A_149 = arith.constant dense<0.000000e+00> : vector<64xf32>
    %reduce_sum3A_150 = vector.multi_reduction <add>, %mul3A_148, %reduce_sum3A_149 [0] : vector<256x64xf32> to vector<64xf32>
    %add3A_151 = arith.addf %add3A_139, %reduce_sum3A_150 : vector<64xf32>
    %max3A_152 = arith.maximumf %max3A_140, %dot_general3A_144 : vector<256x64xf32>
    %min3A_153 = arith.minimumf %min3A_141, %dot_general3A_144 : vector<256x64xf32>
    %slice3A_154 = vector.extract_strided_slice %select_n3A {offsets = [0, 704], sizes = [256, 64], strides = [1, 1]} : vector<256x2048xf32> to vector<256x64xf32>
    %dot_general3A_155 = arith.constant dense<0.000000e+00> : vector<256x64xf32>
    %dot_general3A_156 = tpu.matmul %slice3A_154, %get3A_25, %dot_general3A_155 {dimension_numbers = #tpu.dot_dimension_numbers<[1], [0], [0], [1], [0, 0, 1, 1], [], []>, transpose_lhs_hint = false} : vector<256x64xf32>, vector<64x64xf32>, vector<256x64xf32> -> vector<256x64xf32>
    %reduce_sum3A_157 = arith.constant dense<0.000000e+00> : vector<64xf32>
    %reduce_sum3A_158 = vector.multi_reduction <add>, %dot_general3A_156, %reduce_sum3A_157 [0] : vector<256x64xf32> to vector<64xf32>
    %add3A_159 = arith.addf %add3A_147, %reduce_sum3A_158 : vector<64xf32>
    %mul3A_160 = arith.mulf %dot_general3A_156, %dot_general3A_156 : vector<256x64xf32>
    %reduce_sum3A_161 = arith.constant dense<0.000000e+00> : vector<64xf32>
    %reduce_sum3A_162 = vector.multi_reduction <add>, %mul3A_160, %reduce_sum3A_161 [0] : vector<256x64xf32> to vector<64xf32>
    %add3A_163 = arith.addf %add3A_151, %reduce_sum3A_162 : vector<64xf32>
    %max3A_164 = arith.maximumf %max3A_152, %dot_general3A_156 : vector<256x64xf32>
    %min3A_165 = arith.minimumf %min3A_153, %dot_general3A_156 : vector<256x64xf32>
    %slice3A_166 = vector.extract_strided_slice %select_n3A {offsets = [0, 768], sizes = [256, 64], strides = [1, 1]} : vector<256x2048xf32> to vector<256x64xf32>
    %dot_general3A_167 = arith.constant dense<0.000000e+00> : vector<256x64xf32>
    %dot_general3A_168 = tpu.matmul %slice3A_166, %get3A_25, %dot_general3A_167 {dimension_numbers = #tpu.dot_dimension_numbers<[1], [0], [0], [1], [0, 0, 1, 1], [], []>, transpose_lhs_hint = false} : vector<256x64xf32>, vector<64x64xf32>, vector<256x64xf32> -> vector<256x64xf32>
    %reduce_sum3A_169 = arith.constant dense<0.000000e+00> : vector<64xf32>
    %reduce_sum3A_170 = vector.multi_reduction <add>, %dot_general3A_168, %reduce_sum3A_169 [0] : vector<256x64xf32> to vector<64xf32>
    %add3A_171 = arith.addf %add3A_159, %reduce_sum3A_170 : vector<64xf32>
    %mul3A_172 = arith.mulf %dot_general3A_168, %dot_general3A_168 : vector<256x64xf32>
    %reduce_sum3A_173 = arith.constant dense<0.000000e+00> : vector<64xf32>
    %reduce_sum3A_174 = vector.multi_reduction <add>, %mul3A_172, %reduce_sum3A_173 [0] : vector<256x64xf32> to vector<64xf32>
    %add3A_175 = arith.addf %add3A_163, %reduce_sum3A_174 : vector<64xf32>
    %max3A_176 = arith.maximumf %max3A_164, %dot_general3A_168 : vector<256x64xf32>
    %min3A_177 = arith.minimumf %min3A_165, %dot_general3A_168 : vector<256x64xf32>
    %slice3A_178 = vector.extract_strided_slice %select_n3A {offsets = [0, 832], sizes = [256, 64], strides = [1, 1]} : vector<256x2048xf32> to vector<256x64xf32>
    %dot_general3A_179 = arith.constant dense<0.000000e+00> : vector<256x64xf32>
    %dot_general3A_180 = tpu.matmul %slice3A_178, %get3A_25, %dot_general3A_179 {dimension_numbers = #tpu.dot_dimension_numbers<[1], [0], [0], [1], [0, 0, 1, 1], [], []>, transpose_lhs_hint = false} : vector<256x64xf32>, vector<64x64xf32>, vector<256x64xf32> -> vector<256x64xf32>
    %reduce_sum3A_181 = arith.constant dense<0.000000e+00> : vector<64xf32>
    %reduce_sum3A_182 = vector.multi_reduction <add>, %dot_general3A_180, %reduce_sum3A_181 [0] : vector<256x64xf32> to vector<64xf32>
    %add3A_183 = arith.addf %add3A_171, %reduce_sum3A_182 : vector<64xf32>
    %mul3A_184 = arith.mulf %dot_general3A_180, %dot_general3A_180 : vector<256x64xf32>
    %reduce_sum3A_185 = arith.constant dense<0.000000e+00> : vector<64xf32>
    %reduce_sum3A_186 = vector.multi_reduction <add>, %mul3A_184, %reduce_sum3A_185 [0] : vector<256x64xf32> to vector<64xf32>
    %add3A_187 = arith.addf %add3A_175, %reduce_sum3A_186 : vector<64xf32>
    %max3A_188 = arith.maximumf %max3A_176, %dot_general3A_180 : vector<256x64xf32>
    %min3A_189 = arith.minimumf %min3A_177, %dot_general3A_180 : vector<256x64xf32>
    %slice3A_190 = vector.extract_strided_slice %select_n3A {offsets = [0, 896], sizes = [256, 64], strides = [1, 1]} : vector<256x2048xf32> to vector<256x64xf32>
    %dot_general3A_191 = arith.constant dense<0.000000e+00> : vector<256x64xf32>
    %dot_general3A_192 = tpu.matmul %slice3A_190, %get3A_25, %dot_general3A_191 {dimension_numbers = #tpu.dot_dimension_numbers<[1], [0], [0], [1], [0, 0, 1, 1], [], []>, transpose_lhs_hint = false} : vector<256x64xf32>, vector<64x64xf32>, vector<256x64xf32> -> vector<256x64xf32>
    %reduce_sum3A_193 = arith.constant dense<0.000000e+00> : vector<64xf32>
    %reduce_sum3A_194 = vector.multi_reduction <add>, %dot_general3A_192, %reduce_sum3A_193 [0] : vector<256x64xf32> to vector<64xf32>
    %add3A_195 = arith.addf %add3A_183, %reduce_sum3A_194 : vector<64xf32>
    %mul3A_196 = arith.mulf %dot_general3A_192, %dot_general3A_192 : vector<256x64xf32>
    %reduce_sum3A_197 = arith.constant dense<0.000000e+00> : vector<64xf32>
    %reduce_sum3A_198 = vector.multi_reduction <add>, %mul3A_196, %reduce_sum3A_197 [0] : vector<256x64xf32> to vector<64xf32>
    %add3A_199 = arith.addf %add3A_187, %reduce_sum3A_198 : vector<64xf32>
    %max3A_200 = arith.maximumf %max3A_188, %dot_general3A_192 : vector<256x64xf32>
    %min3A_201 = arith.minimumf %min3A_189, %dot_general3A_192 : vector<256x64xf32>
    %slice3A_202 = vector.extract_strided_slice %select_n3A {offsets = [0, 960], sizes = [256, 64], strides = [1, 1]} : vector<256x2048xf32> to vector<256x64xf32>
    %dot_general3A_203 = arith.constant dense<0.000000e+00> : vector<256x64xf32>
    %dot_general3A_204 = tpu.matmul %slice3A_202, %get3A_25, %dot_general3A_203 {dimension_numbers = #tpu.dot_dimension_numbers<[1], [0], [0], [1], [0, 0, 1, 1], [], []>, transpose_lhs_hint = false} : vector<256x64xf32>, vector<64x64xf32>, vector<256x64xf32> -> vector<256x64xf32>
    %reduce_sum3A_205 = arith.constant dense<0.000000e+00> : vector<64xf32>
    %reduce_sum3A_206 = vector.multi_reduction <add>, %dot_general3A_204, %reduce_sum3A_205 [0] : vector<256x64xf32> to vector<64xf32>
    %add3A_207 = arith.addf %add3A_195, %reduce_sum3A_206 : vector<64xf32>
    %mul3A_208 = arith.mulf %dot_general3A_204, %dot_general3A_204 : vector<256x64xf32>
    %reduce_sum3A_209 = arith.constant dense<0.000000e+00> : vector<64xf32>
    %reduce_sum3A_210 = vector.multi_reduction <add>, %mul3A_208, %reduce_sum3A_209 [0] : vector<256x64xf32> to vector<64xf32>
    %add3A_211 = arith.addf %add3A_199, %reduce_sum3A_210 : vector<64xf32>
    %max3A_212 = arith.maximumf %max3A_200, %dot_general3A_204 : vector<256x64xf32>
    %min3A_213 = arith.minimumf %min3A_201, %dot_general3A_204 : vector<256x64xf32>
    %slice3A_214 = vector.extract_strided_slice %select_n3A {offsets = [0, 1024], sizes = [256, 64], strides = [1, 1]} : vector<256x2048xf32> to vector<256x64xf32>
    %dot_general3A_215 = arith.constant dense<0.000000e+00> : vector<256x64xf32>
    %dot_general3A_216 = tpu.matmul %slice3A_214, %get3A_25, %dot_general3A_215 {dimension_numbers = #tpu.dot_dimension_numbers<[1], [0], [0], [1], [0, 0, 1, 1], [], []>, transpose_lhs_hint = false} : vector<256x64xf32>, vector<64x64xf32>, vector<256x64xf32> -> vector<256x64xf32>
    %reduce_sum3A_217 = arith.constant dense<0.000000e+00> : vector<64xf32>
    %reduce_sum3A_218 = vector.multi_reduction <add>, %dot_general3A_216, %reduce_sum3A_217 [0] : vector<256x64xf32> to vector<64xf32>
    %add3A_219 = arith.addf %add3A_207, %reduce_sum3A_218 : vector<64xf32>
    %mul3A_220 = arith.mulf %dot_general3A_216, %dot_general3A_216 : vector<256x64xf32>
    %reduce_sum3A_221 = arith.constant dense<0.000000e+00> : vector<64xf32>
    %reduce_sum3A_222 = vector.multi_reduction <add>, %mul3A_220, %reduce_sum3A_221 [0] : vector<256x64xf32> to vector<64xf32>
    %add3A_223 = arith.addf %add3A_211, %reduce_sum3A_222 : vector<64xf32>
    %max3A_224 = arith.maximumf %max3A_212, %dot_general3A_216 : vector<256x64xf32>
    %min3A_225 = arith.minimumf %min3A_213, %dot_general3A_216 : vector<256x64xf32>
    %slice3A_226 = vector.extract_strided_slice %select_n3A {offsets = [0, 1088], sizes = [256, 64], strides = [1, 1]} : vector<256x2048xf32> to vector<256x64xf32>
    %dot_general3A_227 = arith.constant dense<0.000000e+00> : vector<256x64xf32>
    %dot_general3A_228 = tpu.matmul %slice3A_226, %get3A_25, %dot_general3A_227 {dimension_numbers = #tpu.dot_dimension_numbers<[1], [0], [0], [1], [0, 0, 1, 1], [], []>, transpose_lhs_hint = false} : vector<256x64xf32>, vector<64x64xf32>, vector<256x64xf32> -> vector<256x64xf32>
    %reduce_sum3A_229 = arith.constant dense<0.000000e+00> : vector<64xf32>
    %reduce_sum3A_230 = vector.multi_reduction <add>, %dot_general3A_228, %reduce_sum3A_229 [0] : vector<256x64xf32> to vector<64xf32>
    %add3A_231 = arith.addf %add3A_219, %reduce_sum3A_230 : vector<64xf32>
    %mul3A_232 = arith.mulf %dot_general3A_228, %dot_general3A_228 : vector<256x64xf32>
    %reduce_sum3A_233 = arith.constant dense<0.000000e+00> : vector<64xf32>
    %reduce_sum3A_234 = vector.multi_reduction <add>, %mul3A_232, %reduce_sum3A_233 [0] : vector<256x64xf32> to vector<64xf32>
    %add3A_235 = arith.addf %add3A_223, %reduce_sum3A_234 : vector<64xf32>
    %max3A_236 = arith.maximumf %max3A_224, %dot_general3A_228 : vector<256x64xf32>
    %min3A_237 = arith.minimumf %min3A_225, %dot_general3A_228 : vector<256x64xf32>
    %slice3A_238 = vector.extract_strided_slice %select_n3A {offsets = [0, 1152], sizes = [256, 64], strides = [1, 1]} : vector<256x2048xf32> to vector<256x64xf32>
    %dot_general3A_239 = arith.constant dense<0.000000e+00> : vector<256x64xf32>
    %dot_general3A_240 = tpu.matmul %slice3A_238, %get3A_25, %dot_general3A_239 {dimension_numbers = #tpu.dot_dimension_numbers<[1], [0], [0], [1], [0, 0, 1, 1], [], []>, transpose_lhs_hint = false} : vector<256x64xf32>, vector<64x64xf32>, vector<256x64xf32> -> vector<256x64xf32>
    %reduce_sum3A_241 = arith.constant dense<0.000000e+00> : vector<64xf32>
    %reduce_sum3A_242 = vector.multi_reduction <add>, %dot_general3A_240, %reduce_sum3A_241 [0] : vector<256x64xf32> to vector<64xf32>
    %add3A_243 = arith.addf %add3A_231, %reduce_sum3A_242 : vector<64xf32>
    %mul3A_244 = arith.mulf %dot_general3A_240, %dot_general3A_240 : vector<256x64xf32>
    %reduce_sum3A_245 = arith.constant dense<0.000000e+00> : vector<64xf32>
    %reduce_sum3A_246 = vector.multi_reduction <add>, %mul3A_244, %reduce_sum3A_245 [0] : vector<256x64xf32> to vector<64xf32>
    %add3A_247 = arith.addf %add3A_235, %reduce_sum3A_246 : vector<64xf32>
    %max3A_248 = arith.maximumf %max3A_236, %dot_general3A_240 : vector<256x64xf32>
    %min3A_249 = arith.minimumf %min3A_237, %dot_general3A_240 : vector<256x64xf32>
    %slice3A_250 = vector.extract_strided_slice %select_n3A {offsets = [0, 1216], sizes = [256, 64], strides = [1, 1]} : vector<256x2048xf32> to vector<256x64xf32>
    %dot_general3A_251 = arith.constant dense<0.000000e+00> : vector<256x64xf32>
    %dot_general3A_252 = tpu.matmul %slice3A_250, %get3A_25, %dot_general3A_251 {dimension_numbers = #tpu.dot_dimension_numbers<[1], [0], [0], [1], [0, 0, 1, 1], [], []>, transpose_lhs_hint = false} : vector<256x64xf32>, vector<64x64xf32>, vector<256x64xf32> -> vector<256x64xf32>
    %reduce_sum3A_253 = arith.constant dense<0.000000e+00> : vector<64xf32>
    %reduce_sum3A_254 = vector.multi_reduction <add>, %dot_general3A_252, %reduce_sum3A_253 [0] : vector<256x64xf32> to vector<64xf32>
    %add3A_255 = arith.addf %add3A_243, %reduce_sum3A_254 : vector<64xf32>
    %mul3A_256 = arith.mulf %dot_general3A_252, %dot_general3A_252 : vector<256x64xf32>
    %reduce_sum3A_257 = arith.constant dense<0.000000e+00> : vector<64xf32>
    %reduce_sum3A_258 = vector.multi_reduction <add>, %mul3A_256, %reduce_sum3A_257 [0] : vector<256x64xf32> to vector<64xf32>
    %add3A_259 = arith.addf %add3A_247, %reduce_sum3A_258 : vector<64xf32>
    %max3A_260 = arith.maximumf %max3A_248, %dot_general3A_252 : vector<256x64xf32>
    %min3A_261 = arith.minimumf %min3A_249, %dot_general3A_252 : vector<256x64xf32>
    %slice3A_262 = vector.extract_strided_slice %select_n3A {offsets = [0, 1280], sizes = [256, 64], strides = [1, 1]} : vector<256x2048xf32> to vector<256x64xf32>
    %dot_general3A_263 = arith.constant dense<0.000000e+00> : vector<256x64xf32>
    %dot_general3A_264 = tpu.matmul %slice3A_262, %get3A_25, %dot_general3A_263 {dimension_numbers = #tpu.dot_dimension_numbers<[1], [0], [0], [1], [0, 0, 1, 1], [], []>, transpose_lhs_hint = false} : vector<256x64xf32>, vector<64x64xf32>, vector<256x64xf32> -> vector<256x64xf32>
    %reduce_sum3A_265 = arith.constant dense<0.000000e+00> : vector<64xf32>
    %reduce_sum3A_266 = vector.multi_reduction <add>, %dot_general3A_264, %reduce_sum3A_265 [0] : vector<256x64xf32> to vector<64xf32>
    %add3A_267 = arith.addf %add3A_255, %reduce_sum3A_266 : vector<64xf32>
    %mul3A_268 = arith.mulf %dot_general3A_264, %dot_general3A_264 : vector<256x64xf32>
    %reduce_sum3A_269 = arith.constant dense<0.000000e+00> : vector<64xf32>
    %reduce_sum3A_270 = vector.multi_reduction <add>, %mul3A_268, %reduce_sum3A_269 [0] : vector<256x64xf32> to vector<64xf32>
    %add3A_271 = arith.addf %add3A_259, %reduce_sum3A_270 : vector<64xf32>
    %max3A_272 = arith.maximumf %max3A_260, %dot_general3A_264 : vector<256x64xf32>
    %min3A_273 = arith.minimumf %min3A_261, %dot_general3A_264 : vector<256x64xf32>
    %slice3A_274 = vector.extract_strided_slice %select_n3A {offsets = [0, 1344], sizes = [256, 64], strides = [1, 1]} : vector<256x2048xf32> to vector<256x64xf32>
    %dot_general3A_275 = arith.constant dense<0.000000e+00> : vector<256x64xf32>
    %dot_general3A_276 = tpu.matmul %slice3A_274, %get3A_25, %dot_general3A_275 {dimension_numbers = #tpu.dot_dimension_numbers<[1], [0], [0], [1], [0, 0, 1, 1], [], []>, transpose_lhs_hint = false} : vector<256x64xf32>, vector<64x64xf32>, vector<256x64xf32> -> vector<256x64xf32>
    %reduce_sum3A_277 = arith.constant dense<0.000000e+00> : vector<64xf32>
    %reduce_sum3A_278 = vector.multi_reduction <add>, %dot_general3A_276, %reduce_sum3A_277 [0] : vector<256x64xf32> to vector<64xf32>
    %add3A_279 = arith.addf %add3A_267, %reduce_sum3A_278 : vector<64xf32>
    %mul3A_280 = arith.mulf %dot_general3A_276, %dot_general3A_276 : vector<256x64xf32>
    %reduce_sum3A_281 = arith.constant dense<0.000000e+00> : vector<64xf32>
    %reduce_sum3A_282 = vector.multi_reduction <add>, %mul3A_280, %reduce_sum3A_281 [0] : vector<256x64xf32> to vector<64xf32>
    %add3A_283 = arith.addf %add3A_271, %reduce_sum3A_282 : vector<64xf32>
    %max3A_284 = arith.maximumf %max3A_272, %dot_general3A_276 : vector<256x64xf32>
    %min3A_285 = arith.minimumf %min3A_273, %dot_general3A_276 : vector<256x64xf32>
    %slice3A_286 = vector.extract_strided_slice %select_n3A {offsets = [0, 1408], sizes = [256, 64], strides = [1, 1]} : vector<256x2048xf32> to vector<256x64xf32>
    %dot_general3A_287 = arith.constant dense<0.000000e+00> : vector<256x64xf32>
    %dot_general3A_288 = tpu.matmul %slice3A_286, %get3A_25, %dot_general3A_287 {dimension_numbers = #tpu.dot_dimension_numbers<[1], [0], [0], [1], [0, 0, 1, 1], [], []>, transpose_lhs_hint = false} : vector<256x64xf32>, vector<64x64xf32>, vector<256x64xf32> -> vector<256x64xf32>
    %reduce_sum3A_289 = arith.constant dense<0.000000e+00> : vector<64xf32>
    %reduce_sum3A_290 = vector.multi_reduction <add>, %dot_general3A_288, %reduce_sum3A_289 [0] : vector<256x64xf32> to vector<64xf32>
    %add3A_291 = arith.addf %add3A_279, %reduce_sum3A_290 : vector<64xf32>
    %mul3A_292 = arith.mulf %dot_general3A_288, %dot_general3A_288 : vector<256x64xf32>
    %reduce_sum3A_293 = arith.constant dense<0.000000e+00> : vector<64xf32>
    %reduce_sum3A_294 = vector.multi_reduction <add>, %mul3A_292, %reduce_sum3A_293 [0] : vector<256x64xf32> to vector<64xf32>
    %add3A_295 = arith.addf %add3A_283, %reduce_sum3A_294 : vector<64xf32>
    %max3A_296 = arith.maximumf %max3A_284, %dot_general3A_288 : vector<256x64xf32>
    %min3A_297 = arith.minimumf %min3A_285, %dot_general3A_288 : vector<256x64xf32>
    %slice3A_298 = vector.extract_strided_slice %select_n3A {offsets = [0, 1472], sizes = [256, 64], strides = [1, 1]} : vector<256x2048xf32> to vector<256x64xf32>
    %dot_general3A_299 = arith.constant dense<0.000000e+00> : vector<256x64xf32>
    %dot_general3A_300 = tpu.matmul %slice3A_298, %get3A_25, %dot_general3A_299 {dimension_numbers = #tpu.dot_dimension_numbers<[1], [0], [0], [1], [0, 0, 1, 1], [], []>, transpose_lhs_hint = false} : vector<256x64xf32>, vector<64x64xf32>, vector<256x64xf32> -> vector<256x64xf32>
    %reduce_sum3A_301 = arith.constant dense<0.000000e+00> : vector<64xf32>
    %reduce_sum3A_302 = vector.multi_reduction <add>, %dot_general3A_300, %reduce_sum3A_301 [0] : vector<256x64xf32> to vector<64xf32>
    %add3A_303 = arith.addf %add3A_291, %reduce_sum3A_302 : vector<64xf32>
    %mul3A_304 = arith.mulf %dot_general3A_300, %dot_general3A_300 : vector<256x64xf32>
    %reduce_sum3A_305 = arith.constant dense<0.000000e+00> : vector<64xf32>
    %reduce_sum3A_306 = vector.multi_reduction <add>, %mul3A_304, %reduce_sum3A_305 [0] : vector<256x64xf32> to vector<64xf32>
    %add3A_307 = arith.addf %add3A_295, %reduce_sum3A_306 : vector<64xf32>
    %max3A_308 = arith.maximumf %max3A_296, %dot_general3A_300 : vector<256x64xf32>
    %min3A_309 = arith.minimumf %min3A_297, %dot_general3A_300 : vector<256x64xf32>
    %slice3A_310 = vector.extract_strided_slice %select_n3A {offsets = [0, 1536], sizes = [256, 64], strides = [1, 1]} : vector<256x2048xf32> to vector<256x64xf32>
    %dot_general3A_311 = arith.constant dense<0.000000e+00> : vector<256x64xf32>
    %dot_general3A_312 = tpu.matmul %slice3A_310, %get3A_25, %dot_general3A_311 {dimension_numbers = #tpu.dot_dimension_numbers<[1], [0], [0], [1], [0, 0, 1, 1], [], []>, transpose_lhs_hint = false} : vector<256x64xf32>, vector<64x64xf32>, vector<256x64xf32> -> vector<256x64xf32>
    %reduce_sum3A_313 = arith.constant dense<0.000000e+00> : vector<64xf32>
    %reduce_sum3A_314 = vector.multi_reduction <add>, %dot_general3A_312, %reduce_sum3A_313 [0] : vector<256x64xf32> to vector<64xf32>
    %add3A_315 = arith.addf %add3A_303, %reduce_sum3A_314 : vector<64xf32>
    %mul3A_316 = arith.mulf %dot_general3A_312, %dot_general3A_312 : vector<256x64xf32>
    %reduce_sum3A_317 = arith.constant dense<0.000000e+00> : vector<64xf32>
    %reduce_sum3A_318 = vector.multi_reduction <add>, %mul3A_316, %reduce_sum3A_317 [0] : vector<256x64xf32> to vector<64xf32>
    %add3A_319 = arith.addf %add3A_307, %reduce_sum3A_318 : vector<64xf32>
    %max3A_320 = arith.maximumf %max3A_308, %dot_general3A_312 : vector<256x64xf32>
    %min3A_321 = arith.minimumf %min3A_309, %dot_general3A_312 : vector<256x64xf32>
    %slice3A_322 = vector.extract_strided_slice %select_n3A {offsets = [0, 1600], sizes = [256, 64], strides = [1, 1]} : vector<256x2048xf32> to vector<256x64xf32>
    %dot_general3A_323 = arith.constant dense<0.000000e+00> : vector<256x64xf32>
    %dot_general3A_324 = tpu.matmul %slice3A_322, %get3A_25, %dot_general3A_323 {dimension_numbers = #tpu.dot_dimension_numbers<[1], [0], [0], [1], [0, 0, 1, 1], [], []>, transpose_lhs_hint = false} : vector<256x64xf32>, vector<64x64xf32>, vector<256x64xf32> -> vector<256x64xf32>
    %reduce_sum3A_325 = arith.constant dense<0.000000e+00> : vector<64xf32>
    %reduce_sum3A_326 = vector.multi_reduction <add>, %dot_general3A_324, %reduce_sum3A_325 [0] : vector<256x64xf32> to vector<64xf32>
    %add3A_327 = arith.addf %add3A_315, %reduce_sum3A_326 : vector<64xf32>
    %mul3A_328 = arith.mulf %dot_general3A_324, %dot_general3A_324 : vector<256x64xf32>
    %reduce_sum3A_329 = arith.constant dense<0.000000e+00> : vector<64xf32>
    %reduce_sum3A_330 = vector.multi_reduction <add>, %mul3A_328, %reduce_sum3A_329 [0] : vector<256x64xf32> to vector<64xf32>
    %add3A_331 = arith.addf %add3A_319, %reduce_sum3A_330 : vector<64xf32>
    %max3A_332 = arith.maximumf %max3A_320, %dot_general3A_324 : vector<256x64xf32>
    %min3A_333 = arith.minimumf %min3A_321, %dot_general3A_324 : vector<256x64xf32>
    %slice3A_334 = vector.extract_strided_slice %select_n3A {offsets = [0, 1664], sizes = [256, 64], strides = [1, 1]} : vector<256x2048xf32> to vector<256x64xf32>
    %dot_general3A_335 = arith.constant dense<0.000000e+00> : vector<256x64xf32>
    %dot_general3A_336 = tpu.matmul %slice3A_334, %get3A_25, %dot_general3A_335 {dimension_numbers = #tpu.dot_dimension_numbers<[1], [0], [0], [1], [0, 0, 1, 1], [], []>, transpose_lhs_hint = false} : vector<256x64xf32>, vector<64x64xf32>, vector<256x64xf32> -> vector<256x64xf32>
    %reduce_sum3A_337 = arith.constant dense<0.000000e+00> : vector<64xf32>
    %reduce_sum3A_338 = vector.multi_reduction <add>, %dot_general3A_336, %reduce_sum3A_337 [0] : vector<256x64xf32> to vector<64xf32>
    %add3A_339 = arith.addf %add3A_327, %reduce_sum3A_338 : vector<64xf32>
    %mul3A_340 = arith.mulf %dot_general3A_336, %dot_general3A_336 : vector<256x64xf32>
    %reduce_sum3A_341 = arith.constant dense<0.000000e+00> : vector<64xf32>
    %reduce_sum3A_342 = vector.multi_reduction <add>, %mul3A_340, %reduce_sum3A_341 [0] : vector<256x64xf32> to vector<64xf32>
    %add3A_343 = arith.addf %add3A_331, %reduce_sum3A_342 : vector<64xf32>
    %max3A_344 = arith.maximumf %max3A_332, %dot_general3A_336 : vector<256x64xf32>
    %min3A_345 = arith.minimumf %min3A_333, %dot_general3A_336 : vector<256x64xf32>
    %slice3A_346 = vector.extract_strided_slice %select_n3A {offsets = [0, 1728], sizes = [256, 64], strides = [1, 1]} : vector<256x2048xf32> to vector<256x64xf32>
    %dot_general3A_347 = arith.constant dense<0.000000e+00> : vector<256x64xf32>
    %dot_general3A_348 = tpu.matmul %slice3A_346, %get3A_25, %dot_general3A_347 {dimension_numbers = #tpu.dot_dimension_numbers<[1], [0], [0], [1], [0, 0, 1, 1], [], []>, transpose_lhs_hint = false} : vector<256x64xf32>, vector<64x64xf32>, vector<256x64xf32> -> vector<256x64xf32>
    %reduce_sum3A_349 = arith.constant dense<0.000000e+00> : vector<64xf32>
    %reduce_sum3A_350 = vector.multi_reduction <add>, %dot_general3A_348, %reduce_sum3A_349 [0] : vector<256x64xf32> to vector<64xf32>
    %add3A_351 = arith.addf %add3A_339, %reduce_sum3A_350 : vector<64xf32>
    %mul3A_352 = arith.mulf %dot_general3A_348, %dot_general3A_348 : vector<256x64xf32>
    %reduce_sum3A_353 = arith.constant dense<0.000000e+00> : vector<64xf32>
    %reduce_sum3A_354 = vector.multi_reduction <add>, %mul3A_352, %reduce_sum3A_353 [0] : vector<256x64xf32> to vector<64xf32>
    %add3A_355 = arith.addf %add3A_343, %reduce_sum3A_354 : vector<64xf32>
    %max3A_356 = arith.maximumf %max3A_344, %dot_general3A_348 : vector<256x64xf32>
    %min3A_357 = arith.minimumf %min3A_345, %dot_general3A_348 : vector<256x64xf32>
    %slice3A_358 = vector.extract_strided_slice %select_n3A {offsets = [0, 1792], sizes = [256, 64], strides = [1, 1]} : vector<256x2048xf32> to vector<256x64xf32>
    %dot_general3A_359 = arith.constant dense<0.000000e+00> : vector<256x64xf32>
    %dot_general3A_360 = tpu.matmul %slice3A_358, %get3A_25, %dot_general3A_359 {dimension_numbers = #tpu.dot_dimension_numbers<[1], [0], [0], [1], [0, 0, 1, 1], [], []>, transpose_lhs_hint = false} : vector<256x64xf32>, vector<64x64xf32>, vector<256x64xf32> -> vector<256x64xf32>
    %reduce_sum3A_361 = arith.constant dense<0.000000e+00> : vector<64xf32>
    %reduce_sum3A_362 = vector.multi_reduction <add>, %dot_general3A_360, %reduce_sum3A_361 [0] : vector<256x64xf32> to vector<64xf32>
    %add3A_363 = arith.addf %add3A_351, %reduce_sum3A_362 : vector<64xf32>
    %mul3A_364 = arith.mulf %dot_general3A_360, %dot_general3A_360 : vector<256x64xf32>
    %reduce_sum3A_365 = arith.constant dense<0.000000e+00> : vector<64xf32>
    %reduce_sum3A_366 = vector.multi_reduction <add>, %mul3A_364, %reduce_sum3A_365 [0] : vector<256x64xf32> to vector<64xf32>
    %add3A_367 = arith.addf %add3A_355, %reduce_sum3A_366 : vector<64xf32>
    %max3A_368 = arith.maximumf %max3A_356, %dot_general3A_360 : vector<256x64xf32>
    %min3A_369 = arith.minimumf %min3A_357, %dot_general3A_360 : vector<256x64xf32>
    %slice3A_370 = vector.extract_strided_slice %select_n3A {offsets = [0, 1856], sizes = [256, 64], strides = [1, 1]} : vector<256x2048xf32> to vector<256x64xf32>
    %dot_general3A_371 = arith.constant dense<0.000000e+00> : vector<256x64xf32>
    %dot_general3A_372 = tpu.matmul %slice3A_370, %get3A_25, %dot_general3A_371 {dimension_numbers = #tpu.dot_dimension_numbers<[1], [0], [0], [1], [0, 0, 1, 1], [], []>, transpose_lhs_hint = false} : vector<256x64xf32>, vector<64x64xf32>, vector<256x64xf32> -> vector<256x64xf32>
    %reduce_sum3A_373 = arith.constant dense<0.000000e+00> : vector<64xf32>
    %reduce_sum3A_374 = vector.multi_reduction <add>, %dot_general3A_372, %reduce_sum3A_373 [0] : vector<256x64xf32> to vector<64xf32>
    %add3A_375 = arith.addf %add3A_363, %reduce_sum3A_374 : vector<64xf32>
    %mul3A_376 = arith.mulf %dot_general3A_372, %dot_general3A_372 : vector<256x64xf32>
    %reduce_sum3A_377 = arith.constant dense<0.000000e+00> : vector<64xf32>
    %reduce_sum3A_378 = vector.multi_reduction <add>, %mul3A_376, %reduce_sum3A_377 [0] : vector<256x64xf32> to vector<64xf32>
    %add3A_379 = arith.addf %add3A_367, %reduce_sum3A_378 : vector<64xf32>
    %max3A_380 = arith.maximumf %max3A_368, %dot_general3A_372 : vector<256x64xf32>
    %min3A_381 = arith.minimumf %min3A_369, %dot_general3A_372 : vector<256x64xf32>
    %slice3A_382 = vector.extract_strided_slice %select_n3A {offsets = [0, 1920], sizes = [256, 64], strides = [1, 1]} : vector<256x2048xf32> to vector<256x64xf32>
    %dot_general3A_383 = arith.constant dense<0.000000e+00> : vector<256x64xf32>
    %dot_general3A_384 = tpu.matmul %slice3A_382, %get3A_25, %dot_general3A_383 {dimension_numbers = #tpu.dot_dimension_numbers<[1], [0], [0], [1], [0, 0, 1, 1], [], []>, transpose_lhs_hint = false} : vector<256x64xf32>, vector<64x64xf32>, vector<256x64xf32> -> vector<256x64xf32>
    %reduce_sum3A_385 = arith.constant dense<0.000000e+00> : vector<64xf32>
    %reduce_sum3A_386 = vector.multi_reduction <add>, %dot_general3A_384, %reduce_sum3A_385 [0] : vector<256x64xf32> to vector<64xf32>
    %add3A_387 = arith.addf %add3A_375, %reduce_sum3A_386 : vector<64xf32>
    %mul3A_388 = arith.mulf %dot_general3A_384, %dot_general3A_384 : vector<256x64xf32>
    %reduce_sum3A_389 = arith.constant dense<0.000000e+00> : vector<64xf32>
    %reduce_sum3A_390 = vector.multi_reduction <add>, %mul3A_388, %reduce_sum3A_389 [0] : vector<256x64xf32> to vector<64xf32>
    %add3A_391 = arith.addf %add3A_379, %reduce_sum3A_390 : vector<64xf32>
    %max3A_392 = arith.maximumf %max3A_380, %dot_general3A_384 : vector<256x64xf32>
    %min3A_393 = arith.minimumf %min3A_381, %dot_general3A_384 : vector<256x64xf32>
    %slice3A_394 = vector.extract_strided_slice %select_n3A {offsets = [0, 1984], sizes = [256, 64], strides = [1, 1]} : vector<256x2048xf32> to vector<256x64xf32>
    %dot_general3A_395 = arith.constant dense<0.000000e+00> : vector<256x64xf32>
    %dot_general3A_396 = tpu.matmul %slice3A_394, %get3A_25, %dot_general3A_395 {dimension_numbers = #tpu.dot_dimension_numbers<[1], [0], [0], [1], [0, 0, 1, 1], [], []>, transpose_lhs_hint = false} : vector<256x64xf32>, vector<64x64xf32>, vector<256x64xf32> -> vector<256x64xf32>
    %reduce_sum3A_397 = arith.constant dense<0.000000e+00> : vector<64xf32>
    %reduce_sum3A_398 = vector.multi_reduction <add>, %dot_general3A_396, %reduce_sum3A_397 [0] : vector<256x64xf32> to vector<64xf32>
    %add3A_399 = arith.addf %add3A_387, %reduce_sum3A_398 : vector<64xf32>
    %mul3A_400 = arith.mulf %dot_general3A_396, %dot_general3A_396 : vector<256x64xf32>
    %reduce_sum3A_401 = arith.constant dense<0.000000e+00> : vector<64xf32>
    %reduce_sum3A_402 = vector.multi_reduction <add>, %mul3A_400, %reduce_sum3A_401 [0] : vector<256x64xf32> to vector<64xf32>
    %add3A_403 = arith.addf %add3A_391, %reduce_sum3A_402 : vector<64xf32>
    %max3A_404 = arith.maximumf %max3A_392, %dot_general3A_396 : vector<256x64xf32>
    %min3A_405 = arith.minimumf %min3A_393, %dot_general3A_396 : vector<256x64xf32>
    %swap3A = arith.constant 0 : index
    %swap3A_406 = arith.constant 0 : index
    %swap3A_407 = arith.constant 0 : index
    %swap3A_408 = vector.load %arg7[%swap3A, %swap3A_406, %swap3A_407] : memref<1x256x64xf32, #tpu.memory_space<vmem>>, vector<1x256x64xf32>
    %swap3A_409 = vector.shape_cast %swap3A_408 : vector<1x256x64xf32> to vector<256x64xf32>
    %swap3A_410 = vector.shape_cast %max3A_404 : vector<256x64xf32> to vector<1x256x64xf32>
    tpu.vector_store %arg7[%swap3A, %swap3A_406, %swap3A_407], %swap3A_410 {strides = array<i32>} : memref<1x256x64xf32, #tpu.memory_space<vmem>>, vector<1x256x64xf32>,
    %swap3A_411 = arith.constant 0 : index
    %swap3A_412 = arith.constant 0 : index
    %swap3A_413 = arith.constant 0 : index
    %swap3A_414 = vector.load %arg8[%swap3A_411, %swap3A_412, %swap3A_413] : memref<1x256x64xf32, #tpu.memory_space<vmem>>, vector<1x256x64xf32>
    %swap3A_415 = vector.shape_cast %swap3A_414 : vector<1x256x64xf32> to vector<256x64xf32>
    %swap3A_416 = vector.shape_cast %min3A_405 : vector<256x64xf32> to vector<1x256x64xf32>
    tpu.vector_store %arg8[%swap3A_411, %swap3A_412, %swap3A_413], %swap3A_416 {strides = array<i32>} : memref<1x256x64xf32, #tpu.memory_space<vmem>>, vector<1x256x64xf32>,
    %eq3A = arith.constant 0 : i32
    %eq3A_417 = arith.cmpi eq, %arg0, %eq3A : i32
    %eq3A_418 = arith.constant 0 : i32
    %eq3A_419 = arith.cmpi eq, %arg1, %eq3A_418 : i32
    %and3A = arith.andi %eq3A_417, %eq3A_419 : i1
    %convert_element_type3A = arith.extui %and3A : i1 to i32
    %cond3A = arith.constant 0 : i32
    %cond3A_420 = arith.cmpi ne, %convert_element_type3A, %cond3A : i32
    scf.if %cond3A_420 {
      %broadcast_in_dim3A_441 = arith.constant 0.000000e+00 : f32
      %broadcast_in_dim3A_442 = vector.broadcast %broadcast_in_dim3A_441 : f32 to vector<8x64xf32>
      %swap3A_443 = arith.constant 0 : index
      %swap3A_444 = arith.constant 0 : index
      %swap3A_445 = vector.load %arg9[%swap3A_443, %swap3A_444] : memref<8x64xf32, #tpu.memory_space<vmem>>, vector<8x64xf32>
      tpu.vector_store %arg9[%swap3A_443, %swap3A_444], %broadcast_in_dim3A_442 {strides = array<i32>} : memref<8x64xf32, #tpu.memory_space<vmem>>, vector<8x64xf32>,
      %broadcast_in_dim3A_446 = arith.constant 0.000000e+00 : f32
      %broadcast_in_dim3A_447 = vector.broadcast %broadcast_in_dim3A_446 : f32 to vector<8x64xf32>
      %swap3A_448 = arith.constant 0 : index
      %swap3A_449 = arith.constant 0 : index
      %swap3A_450 = vector.load %arg10[%swap3A_448, %swap3A_449] : memref<8x64xf32, #tpu.memory_space<vmem>>, vector<8x64xf32>
      tpu.vector_store %arg10[%swap3A_448, %swap3A_449], %broadcast_in_dim3A_447 {strides = array<i32>} : memref<8x64xf32, #tpu.memory_space<vmem>>, vector<8x64xf32>,
    } else {
    }
    %get3A_421 = arith.constant 0 : index
    %get3A_422 = arith.constant 0 : index
    %get3A_423 = vector.load %arg9[%get3A_421, %get3A_422] : memref<8x64xf32, #tpu.memory_space<vmem>>, vector<8x64xf32>
    %broadcast_in_dim3A_424 = vector.shape_cast %add3A_399 : vector<64xf32> to vector<1x64xf32>
    %broadcast_in_dim3A_425 = vector.shape_cast %broadcast_in_dim3A_424 : vector<1x64xf32> to vector<1x64xf32>
    %broadcast_in_dim3A_426 = vector.broadcast %broadcast_in_dim3A_425 : vector<1x64xf32> to vector<8x64xf32>
    %add3A_427 = arith.addf %get3A_423, %broadcast_in_dim3A_426 : vector<8x64xf32>
    %swap3A_428 = arith.constant 0 : index
    %swap3A_429 = arith.constant 0 : index
    %swap3A_430 = vector.load %arg9[%swap3A_428, %swap3A_429] : memref<8x64xf32, #tpu.memory_space<vmem>>, vector<8x64xf32>
    tpu.vector_store %arg9[%swap3A_428, %swap3A_429], %add3A_427 {strides = array<i32>} : memref<8x64xf32, #tpu.memory_space<vmem>>, vector<8x64xf32>,
    %get3A_431 = arith.constant 0 : index
    %get3A_432 = arith.constant 0 : index
    %get3A_433 = vector.load %arg10[%get3A_431, %get3A_432] : memref<8x64xf32, #tpu.memory_space<vmem>>, vector<8x64xf32>
    %broadcast_in_dim3A_434 = vector.shape_cast %add3A_403 : vector<64xf32> to vector<1x64xf32>
    %broadcast_in_dim3A_435 = vector.shape_cast %broadcast_in_dim3A_434 : vector<1x64xf32> to vector<1x64xf32>
    %broadcast_in_dim3A_436 = vector.broadcast %broadcast_in_dim3A_435 : vector<1x64xf32> to vector<8x64xf32>
    %add3A_437 = arith.addf %get3A_433, %broadcast_in_dim3A_436 : vector<8x64xf32>
    %swap3A_438 = arith.constant 0 : index
    %swap3A_439 = arith.constant 0 : index
    %swap3A_440 = vector.load %arg10[%swap3A_438, %swap3A_439] : memref<8x64xf32, #tpu.memory_space<vmem>>, vector<8x64xf32>
    tpu.vector_store %arg10[%swap3A_438, %swap3A_439], %add3A_437 {strides = array<i32>} : memref<8x64xf32, #tpu.memory_space<vmem>>, vector<8x64xf32>,
    return
  }
  func.func @transform_0(%arg0: i32, %arg1: i32) -> (i32, i32, i32) {
    %c0_i32 = arith.constant 0 : i32
    %c0_i32_0 = arith.constant 0 : i32
    return %arg0, %arg1, %c0_i32 : i32, i32, i32
  }
  func.func @transform_1(%arg0: i32, %arg1: i32) -> (i32, i32, i32) {
    %c0_i32 = arith.constant 0 : i32
    %c0_i32_0 = arith.constant 0 : i32
    return %arg0, %arg1, %c0_i32 : i32, i32, i32
  }
  func.func @transform_2(%arg0: i32, %arg1: i32) -> (i32, i32) {
    %c0_i32 = arith.constant 0 : i32
    %c0_i32_0 = arith.constant 0 : i32
    %c0_i32_1 = arith.constant 0 : i32
    return %c0_i32, %c0_i32_0 : i32, i32
  }
  func.func @transform_3(%arg0: i32, %arg1: i32) -> (i32, i32) {
    %c0_i32 = arith.constant 0 : i32
    %c0_i32_0 = arith.constant 0 : i32
    %c0_i32_1 = arith.constant 0 : i32
    return %c0_i32, %c0_i32_0 : i32, i32
  }
  func.func @transform_4(%arg0: i32, %arg1: i32) -> (i32, i32) {
    %c0_i32 = arith.constant 0 : i32
    %c0_i32_0 = arith.constant 0 : i32
    %c0_i32_1 = arith.constant 0 : i32
    return %c0_i32, %c0_i32_0 : i32, i32
  }
  func.func @transform_5(%arg0: i32, %arg1: i32) -> (i32, i32, i32) {
    %c0_i32 = arith.constant 0 : i32
    %c0_i32_0 = arith.constant 0 : i32
    return %arg0, %arg1, %c0_i32 : i32, i32, i32
  }
  func.func @transform_6(%arg0: i32, %arg1: i32) -> (i32, i32, i32) {
    %c0_i32 = arith.constant 0 : i32
    %c0_i32_0 = arith.constant 0 : i32
    return %arg0, %arg1, %c0_i32 : i32, i32, i32
  }
  func.func @transform_7(%arg0: i32, %arg1: i32) -> (i32, i32) {
    %c0_i32 = arith.constant 0 : i32
    %c0_i32_0 = arith.constant 0 : i32
    %c0_i32_1 = arith.constant 0 : i32
    return %c0_i32, %c0_i32_0 : i32, i32
  }
  func.func @transform_8(%arg0: i32, %arg1: i32) -> (i32, i32) {
    %c0_i32 = arith.constant 0 : i32
    %c0_i32_0 = arith.constant 0 : i32
    %c0_i32_1 = arith.constant 0 : i32
    return %c0_i32, %c0_i32_0 : i32, i32
  }
}

module attributes {stable_mosaic.version = 14 : i64} {
  func.func @_pass3_body(%arg0: i32, %arg1: memref<1x2048x64xf32, #tpu.memory_space<vmem>>, %arg2: memref<1x2048x64xf32, #tpu.memory_space<vmem>>, %arg3: memref<1x64xf32, #tpu.memory_space<vmem>>, %arg4: memref<1x64xf32, #tpu.memory_space<vmem>>, %arg5: memref<1x2048x64xf32, #tpu.memory_space<vmem>>) attributes {dimension_semantics = [#tpu.dimension_semantics<arbitrary>], iteration_bounds = array<i64: 8>, scalar_prefetch = 0 : i64, scratch_operands = 0 : i64, tpu.core_type = #tpu.core_type<tc>, window_params = [{transform_indices = @transform_0, window_bounds = array<i64: 1, 2048, 64>}, {transform_indices = @transform_1, window_bounds = array<i64: 1, 2048, 64>}, {pipeline_mode = #tpu.pipeline_mode<synchronous>, transform_indices = @transform_2, window_bounds = array<i64: 1, 64>}, {pipeline_mode = #tpu.pipeline_mode<synchronous>, transform_indices = @transform_3, window_bounds = array<i64: 1, 64>}, {transform_indices = @transform_4, window_bounds = array<i64: 1, 2048, 64>}]} {
    %get3A = arith.constant 0 : index
    %get3A_0 = arith.constant 0 : index
    %get3A_1 = vector.load %arg3[%get3A, %get3A_0] : memref<1x64xf32, #tpu.memory_space<vmem>>, vector<1x64xf32>
    %get3A_2 = arith.constant 0 : index
    %get3A_3 = arith.constant 0 : index
    %get3A_4 = vector.load %arg4[%get3A_2, %get3A_3] : memref<1x64xf32, #tpu.memory_space<vmem>>, vector<1x64xf32>
    %ge3A = arith.constant 0.000000e+00 : f32
    %ge3A_5 = vector.broadcast %ge3A : f32 to vector<1x64xf32>
    %ge3A_6 = arith.cmpf oge, %get3A_1, %ge3A_5 : vector<1x64xf32>
    %get3A_7 = arith.constant 0 : index
    %get3A_8 = arith.constant 0 : index
    %get3A_9 = arith.constant 0 : index
    %get3A_10 = vector.load %arg1[%get3A_7, %get3A_8, %get3A_9] : memref<1x2048x64xf32, #tpu.memory_space<vmem>>, vector<1x2048x64xf32>
    %get3A_11 = vector.shape_cast %get3A_10 : vector<1x2048x64xf32> to vector<2048x64xf32>
    %get3A_12 = arith.constant 0 : index
    %get3A_13 = arith.constant 0 : index
    %get3A_14 = arith.constant 0 : index
    %get3A_15 = vector.load %arg2[%get3A_12, %get3A_13, %get3A_14] : memref<1x2048x64xf32, #tpu.memory_space<vmem>>, vector<1x2048x64xf32>
    %get3A_16 = vector.shape_cast %get3A_15 : vector<1x2048x64xf32> to vector<2048x64xf32>
    %broadcast_in_dim3A = vector.shape_cast %ge3A_6 : vector<1x64xi1> to vector<1x64xi1>
    %broadcast_in_dim3A_17 = vector.broadcast %broadcast_in_dim3A : vector<1x64xi1> to vector<2048x64xi1>
    %select_n3A = arith.select %broadcast_in_dim3A_17, %get3A_11, %get3A_16 : vector<2048x64xi1>, vector<2048x64xf32>
    %mul3A = vector.broadcast %get3A_1 : vector<1x64xf32> to vector<2048x64xf32>
    %mul3A_18 = arith.mulf %mul3A, %select_n3A : vector<2048x64xf32>
    %add3A = vector.broadcast %get3A_4 : vector<1x64xf32> to vector<2048x64xf32>
    %add3A_19 = arith.addf %mul3A_18, %add3A : vector<2048x64xf32>
    %ge3A_20 = arith.constant 0.000000e+00 : f32
    %ge3A_21 = vector.broadcast %ge3A_20 : f32 to vector<2048x64xf32>
    %ge3A_22 = arith.cmpf oge, %add3A_19, %ge3A_21 : vector<2048x64xf32>
    %mul3A_23 = arith.constant 0.00999999977 : f32
    %mul3A_24 = vector.broadcast %mul3A_23 : f32 to vector<2048x64xf32>
    %mul3A_25 = arith.mulf %mul3A_24, %add3A_19 : vector<2048x64xf32>
    %select_n3A_26 = arith.select %ge3A_22, %add3A_19, %mul3A_25 : vector<2048x64xi1>, vector<2048x64xf32>
    %swap3A = arith.constant 0 : index
    %swap3A_27 = arith.constant 0 : index
    %swap3A_28 = arith.constant 0 : index
    %swap3A_29 = vector.load %arg5[%swap3A, %swap3A_27, %swap3A_28] : memref<1x2048x64xf32, #tpu.memory_space<vmem>>, vector<1x2048x64xf32>
    %swap3A_30 = vector.shape_cast %swap3A_29 : vector<1x2048x64xf32> to vector<2048x64xf32>
    %swap3A_31 = vector.shape_cast %select_n3A_26 : vector<2048x64xf32> to vector<1x2048x64xf32>
    tpu.vector_store %arg5[%swap3A, %swap3A_27, %swap3A_28], %swap3A_31 {strides = array<i32>} : memref<1x2048x64xf32, #tpu.memory_space<vmem>>, vector<1x2048x64xf32>,
    return
  }
  func.func @transform_0(%arg0: i32) -> (i32, i32, i32) {
    %c0_i32 = arith.constant 0 : i32
    %c0_i32_0 = arith.constant 0 : i32
    %c0_i32_1 = arith.constant 0 : i32
    return %arg0, %c0_i32, %c0_i32_0 : i32, i32, i32
  }
  func.func @transform_1(%arg0: i32) -> (i32, i32, i32) {
    %c0_i32 = arith.constant 0 : i32
    %c0_i32_0 = arith.constant 0 : i32
    %c0_i32_1 = arith.constant 0 : i32
    return %arg0, %c0_i32, %c0_i32_0 : i32, i32, i32
  }
  func.func @transform_2(%arg0: i32) -> (i32, i32) {
    %c0_i32 = arith.constant 0 : i32
    %c0_i32_0 = arith.constant 0 : i32
    %c0_i32_1 = arith.constant 0 : i32
    return %c0_i32, %c0_i32_0 : i32, i32
  }
  func.func @transform_3(%arg0: i32) -> (i32, i32) {
    %c0_i32 = arith.constant 0 : i32
    %c0_i32_0 = arith.constant 0 : i32
    %c0_i32_1 = arith.constant 0 : i32
    return %c0_i32, %c0_i32_0 : i32, i32
  }
  func.func @transform_4(%arg0: i32) -> (i32, i32, i32) {
    %c0_i32 = arith.constant 0 : i32
    %c0_i32_0 = arith.constant 0 : i32
    %c0_i32_1 = arith.constant 0 : i32
    return %arg0, %c0_i32, %c0_i32_0 : i32, i32, i32
  }
}

</mosaic_0001>

<sc_bundles>
// kernel: kernel.8.cloned.1.call-start
scs
__scs_entry_jumppad:
0x0: {  	(pc) =	sbr.rel $0x88, $3  }
0x1: {  	(tag) =	ssettag $0x0;
	lr =	simm.s32 $0x1  }
0x2: {  	[smem:$0x3F9A] =	sst lr;
	_ =	strace $0xD0000000  }
0x3: {  	_ = 	snop  }
0x4: {  	_ = 	snop  }
0x5: {  	_ = 	snop  }
0x6: {  	_ = 	snop  }
0x7: {  	_ = 	snop  }
__scs_overlays_trampoline_lowered:
0x8: {  	[smem:$0x3FA9] =	sst s0  }
0x9: {  	[smem:$0x3FAA] =	sst s1  }
0xa: {  	[smem:$0x3FAB] =	sst s2  }
0xb: {  	[smem:$0x3FAC] =	sst s3  }
0xc: {  	[smem:$0x3FAD] =	sst s4  }
0xd: {  	[smem:$0x3FAE] =	sst s5  }
0xe: {  	[smem:$0x3FAF] =	sst s6  }
0xf: {  	[smem:$0x3FB0] =	sst s7  }
0x10: {  	[smem:$0x3FB1] =	sst s8  }
0x11: {  	[smem:$0x3FB2] =	sst s9;
	s0 =	simm.s32 @!p0 $0x0  }
0x12: {  	s1 =	sld [smem:$0x3F98];
	s0 =	simm.s32 @p0 $0x1  }
0x13: {  	[smem:$0x3FB3] =	sst s0;
	s0 =	simm.s32 @!p1 $0x0  }
0x14: {  	s2 =	sld [smem:$0x3F97];
	s0 =	simm.s32 @p1 $0x1  }
0x15: {  	[smem:$0x3FB4] =	sst s0;
	s0 =	simm.s32 @!p2 $0x0  }
0x16: {  	s3 =	sld [smem:$0x3FDB];
	s0 =	simm.s32 @p2 $0x1  }
0x17: {  	s4 =	simm.s32 $0x1BF5;
	[smem:$0x3FB6] =	sst s0  }
0x18: {  	s0 =	sld [smem:$0x3F99];
	_ =	swait.ge [sflag:s4], $0x0  }
0x19: {  	s7 =	sld [smem:$0x3F9A]  }
0x1a: {  	s8 =	sadd.s32 $0xFFFFE003, lr  }
0x1b: {  	s9 =	sadd.s32 $0xFFFFFEF7, lr;
	s5 =	simm.s32 $0xFFFFFFFF;
	p2 =	slt.u32 s8, $0xFFFFF086  }
0x1c: {  	p1 =	slt.u32 s9, $0xF7A;
	s5 =	simm.s32 @!p2 $0x0  }
0x1d: {  	s5 =	simm.s32 @p1 $0x1;
	p0 =	seq.s32 s7, s2  }
0x1e: {  	s7 =	smul.u32 @!p0 $0xF7A, s2;
	p2 =	seq.s32 @!p0 s5, $0x0  }
0x1f: {  	s9 =	smul.u32 $0xF7A, s1;
	s8 =	simm.s32 @!p0 $0x1BF5;
	p2 =	por !p2, p0  }
0x20: {  	[sflag:s8] =	ssyncset.s32 @!p0 $0xFFFFF086;
	s6 =	sadd.s32 @!p0 s3, s7;
	s7 =	simm.s32 @!p0 $0x108  }
0x21: {  	s3 =	sadd.s32 s3, s9;
	s6 =	sadd.s32 @!p0 $0x88, s6;
	s7 =	simm.s32 @p2 $0x1082  }
0x22: {  	[simem:s7], [sflag:s8] =	dma.local @!p0 [hbm:s6], $0xF7A  }
0x23: {  	s9 =	sor.u32 $0xD0000000, s2;
	s6 =	simm.s32 $0x108;
	_ =	swait.ge @!p0 [sflag:s8], $0x0  }
0x24: {  	s3 =	sadd.s32 $0x88, s3;
	s6 =	simm.s32 @!p1 $0x1082;
	[sflag:s4] =	ssyncset.s32 $0xFFFFF086  }
0x25: {  	[simem:s6], [sflag:s4] =	dma.local [hbm:s3], $0xF7A  }
0x26: {  	[smem:$0x3F9A] =	sst s1;
	(tag) =	ssettag s2;
	_ =	strace s9  }
0x27: {  	s1 =	sld [smem:$0x3FAA]  }
0x28: {  	s2 =	sld [smem:$0x3FAB]  }
0x29: {  	s4 =	sld [smem:$0x3FAD]  }
0x2a: {  	p0 =	seq.s32 s5, $0x0;
	s5 =	sld [smem:$0x3FAE]  }
0x2b: {  	s6 =	sld [smem:$0x3FAF]  }
0x2c: {  	s7 =	sld [smem:$0x3FB0]  }
0x2d: {  	s3 =	simm.s32 $0x108;
	s8 =	sld [smem:$0x3FB1]  }
0x2e: {  	s3 =	simm.s32 @!p0 $0x1082;
	s9 =	sld [smem:$0x3FB2]  }
0x2f: {  	lr =	sadd.s32 s0, s3;
	s0 =	sld [smem:$0x3FA9]  }
0x30: {  	s3 =	sld [smem:$0x3FAC]  }
0x31: {  	[smem:$0x3FB5] =	sst s10  }
0x32: {  	s10 =	sld [smem:$0x3FB3];
	_ =	sdelay $0x3  }
0x33: {  	p0 =	seq.s32 s10, $0x1;
	s10 =	sld [smem:$0x3FB5];
	_ =	sdelay $0x3  }
0x34: {  	[smem:$0x3FB5] =	sst s10  }
0x35: {  	s10 =	sld [smem:$0x3FB4];
	_ =	sdelay $0x3  }
0x36: {  	p1 =	seq.s32 s10, $0x1;
	s10 =	sld [smem:$0x3FB5];
	_ =	sdelay $0x3  }
0x37: {  	[smem:$0x3FB5] =	sst s10  }
0x38: {  	s10 =	sld [smem:$0x3FB6]  }
0x39: {  	_ = 	snop;
	(pc) =	sbr.ind lr, $3  }
0x3a: {  	_ = 	snop  }
0x3b: {  	_ = 	snop  }
0x3c: {  	p2 =	seq.s32 s10, $0x1;
	s10 =	sld [smem:$0x3FB5]  }
0x3d: {  	_ =	shalt  }
0x3e: {  	_ =	shalt  }
0x3f: {  	_ =	shalt  }
0x40: {  	_ =	shalt  }
0x41: {  	_ =	shalt  }
0x42: {  	_ =	shalt  }
0x43: {  	_ =	shalt  }
0x44: {  	_ =	shalt  }
0x45: {  	_ =	shalt  }
0x46: {  	_ =	shalt  }
0x47: {  	_ =	shalt  }
0x48: {  	_ =	shalt  }
0x49: {  	_ =	shalt  }
0x4a: {  	_ =	shalt  }
0x4b: {  	_ =	shalt  }
0x4c: {  	_ =	shalt  }
0x4d: {  	_ =	shalt  }
0x4e: {  	_ =	shalt  }
0x4f: {  	_ =	shalt  }
0x50: {  	_ =	shalt  }
0x51: {  	_ =	shalt  }
0x52: {  	_ =	shalt  }
0x53: {  	_ =	shalt  }
0x54: {  	_ =	shalt  }
0x55: {  	_ =	shalt  }
0x56: {  	_ =	shalt  }
0x57: {  	_ =	shalt  }
0x58: {  	_ =	shalt  }
0x59: {  	_ =	shalt  }
0x5a: {  	_ =	shalt  }
0x5b: {  	_ =	shalt  }
0x5c: {  	_ =	shalt  }
0x5d: {  	_ =	shalt  }
0x5e: {  	_ =	shalt  }
0x5f: {  	_ =	shalt  }
0x60: {  	_ =	shalt  }
0x61: {  	_ =	shalt  }
0x62: {  	_ =	shalt  }
0x63: {  	_ =	shalt  }
0x64: {  	_ =	shalt  }
0x65: {  	_ =	shalt  }
0x66: {  	_ =	shalt  }
0x67: {  	_ =	shalt  }
0x68: {  	_ =	shalt  }
0x69: {  	_ =	shalt  }
0x6a: {  	_ =	shalt  }
0x6b: {  	_ =	shalt  }
0x6c: {  	_ =	shalt  }
0x6d: {  	_ =	shalt  }
0x6e: {  	_ =	shalt  }
0x6f: {  	_ =	shalt  }
0x70: {  	_ =	shalt  }
0x71: {  	_ =	shalt  }
0x72: {  	_ =	shalt  }
0x73: {  	_ =	shalt  }
0x74: {  	_ =	shalt  }
0x75: {  	_ =	shalt  }
0x76: {  	_ =	shalt  }
0x77: {  	_ =	shalt  }
0x78: {  	_ =	shalt  }
0x79: {  	_ =	shalt  }
0x7a: {  	_ =	shalt  }
0x7b: {  	_ =	shalt  }
0x7c: {  	_ =	shalt  }
0x7d: {  	_ =	shalt  }
0x7e: {  	_ =	shalt  }
0x7f: {  	_ =	shalt  }
0x80: {  	_ =	shalt  }
0x81: {  	_ =	shalt  }
0x82: {  	_ =	shalt  }
0x83: {  	_ =	shalt  }
0x84: {  	_ =	shalt  }
0x85: {  	_ =	shalt  }
0x86: {  	_ =	shalt  }
0x87: {  	_ =	shalt  }
.Lfunc_end0:
.L_simem_size_0:
called_computation_lowered:
.L_overlay_start_0:
0x88: {  	s2 =	sld [smem:$0x3FD9]  }
0x89: {  	s3 =	sld [smem:$0x3FFE];
	_ =	sdelay $0x1  }
0x8a: {  	s1 =	srdreg.scid  }
0x8b: {  	s0 =	sand.u32 $0x1, s1  }
0x8c: {  	s17 =	sshll.u32 s0, $0xA;
	s2 =	sadd.s32 s3, s2  }
0x8d: {  	s2 =	sadd.s32 s2, s17  }
0x8e: {  	[smem:$0x3FC1] =	sst s2  }
0x8f: {  	_ = 	snop  }
0x90: {  	s2 =	sld [smem:$0x3FD0];
	(tm) =	ssettm $0x1  }
0x91: {  	s18 =	sld [smem:$0x3FFB];
	_ =	sdelay $0x3  }
0x92: {  	_ =	strace s18  }
0x93: {  	s3 =	sld [smem:$0x3FFC];
	_ =	sdelay $0x3  }
0x94: {  	_ =	strace s3  }
0x95: {  	s3 =	sld [smem:$0x3FFD];
	_ =	sdelay $0x3  }
0x96: {  	_ =	strace s3  }
0x97: {  	_ =	strace $0x8FFFFFFF  }
0x98: {  	s19 =	sld [smem:$0x3FDB];
	_ =	sdelay $0x1  }
0x99: {  	s4 =	simm.s32 $_scs_section_size  }
0x9a: {  	s5 =	simm.s32 $_size__tile_overlayer_lowered;
	s6 =	simm.s32 $_tile_overlayer_lowered  }
0x9b: {  	s22 =	simm.s32 $0x1BFF;
	s21 =	sshll.u32 s6, $0x1;
	s3 =	sadd.s32 s4, s19  }
0x9c: {  	s7 =	simm.s32 $0x0;
	s20 =	sshll.u32 s5, $0x1;
	s5 =	sadd.s32 s21, s3  }
0x9d: {  	[timem:s7], [sflag:s22] =	dma.local [hbm:s5], s20  }
0x9e: {  	_ =	swait.ge [sflag:s22], s20  }
0x9f: {  	s4 =	ssub.s32 $0x0, s20;
	[sflag:s22] =	ssyncset.done $0x0  }
0xa0: {  	[sflag:s22] =	ssyncadd.s32 s4;
	_ =	sdelay $0x1  }
0xa1: {  	s23 =	simm.s32 $0x1B8B  }
0xa2: {  	_ =	swait.ge [sflag:s23], $0x1  }
0xa3: {  	[sflag:s23] =	ssyncset.done $0x0  }
0xa4: {  	s25 =	simm.s32 $0x1B8E;
	s24 =	sld [smem:$0x3FFE];
	[sflag:s23] =	ssyncadd.s32 $0xFFFFFFFF  }
0xa5: {  	s26 =	simm.s32 $execute0_lowered;
	[smem:$0x3FD2] =	sst s25  }
0xa6: {  	s5 =	sshll.u32 s26, $0x1;
	_ =	strace $0x80000046;
	[dreg:$0x1] =	wrdreg $0xFFFFFFFF  }
0xa7: {  	s28 =	simm.s32 $_size_execute0_lowered;
	s3 =	sadd.s32 s3, s5;
	[dreg:$0x0] =	wrdreg $0x0  }
0xa8: {  	s5 =	sshll.u32 s28, $0x1;
	[dreg:$0x2] =	wrdreg s3  }
0xa9: {  	[dreg:$0x3] =	wrdreg s5  }
0xaa: {  	[dreg:$0x4] =	wrdreg $0xC0  }
0xab: {  	_ =	task [dreg:s7], $0x5FFFF  }
0xac: {  	[dreg:$0x1] =	wrdreg $0xFFFFFFFF  }
0xad: {  	[dreg:$0x0] =	wrdreg $0x60  }
0xae: {  	[dreg:$0x2] =	wrdreg s2  }
0xaf: {  	[dreg:$0x3] =	wrdreg s24  }
0xb0: {  	[dreg:$0x4] =	wrdreg $0x9  }
0xb1: {  	_ =	task.clear_ibuf [dreg:s7], $0x5FFFF;
	_ =	strace $0x90000046  }
0xb2: {  	s29 =	simm.s32 $0x9;
	_ =	strace $0x80000048  }
0xb3: {  	_ =	swait.ge [sflag:s29], $0x1  }
0xb4: {  	[sflag:s29] =	ssyncadd.s32 $0xFFFFFFFF  }
0xb5: {  	_ =	strace $0x90000048  }
0xb6: {  	_ =	sfence  }
0xb7: {  	s30 =	sld [smem:$0x0];
	_ =	sdelay $0x2  }
0xb8: {  	s31 =	sshll.u32 s1, $0xD;
	s1 =	sshrl.u32 s1, $0x2  }
0xb9: {  	s3 =	sand.u32 $0x4000, s31;
	s1 =	sadd.s32 s1, s30  }
0xba: {  	s0 =	sor.u32 s3, s0;
	s1 =	sshll.u32 s1, $0x11  }
0xbb: {  	s0 =	sor.u32 s1, s0  }
0xbc: {  	s0 =	sadd.s32 $0x8F2B, s0  }
0xbd: {  	[sflag:s0] =	ssyncadd.remote.s32 $0x1  }
0xbe: {  	_ =	sfence.sel $0xFFFF  }
0xbf: {  	[dreg:$0x0] =	wrdreg $0xFFFFFFFF;
	(pc) =	sbr.abs _section_cstart, $3  }
0xc0: {  	[dreg:$0x1] =	wrdreg $0xFFFFFFFF  }
0xc1: {  	_ =	task.clear_ibuf [dreg:s7], $0x2FFFF;
	_ =	strace $0x9FFFFFFF  }
0xc2: {  	(tm) =	ssettm $0x7FFFFFFF  }
0xc3: {  	_ =	shalt  }
tec
execute0_lowered:
.L_overlay_start_1:
0x0: {  	(tag) =	ssettag $0x1  }
0x1: {  	s1 =	rddreg [dreg:$0x0]  }
0x2: {  	s4 =	rddreg [dreg:$0x1]  }
0x3: {  	s0 =	rddreg [dreg:$0x2];
	s2 =	simm.s32 $0x0  }
0x4: {  	s3 =	srdreg.scid;
	s14 =	simm.s32 $0x400;
	s15 =	simm.s32 $0x1  }
0x5: {  	s16 =	simm.s32 $0x8400;
	s17 =	simm.s32 $0x2;
	s18 =	simm.s32 $0x3  }
0x6: {  	s19 =	simm.s32 $0x0;
	[smem:$0x7FF] =	sst s2;
	s9 =	sand.u32 $0x1, s3  }
0x7: {  	s3 =	stileid.u32;
	s11 =	sadd.s32 $0x42000, s4;
	s12 =	sadd.s32 $0x52000, s4  }
0x8: {  	_ =	strace $0x80000047;
	s5 =	ssub.s32 $0x2, s9;
	s7 =	sshll.u32 s3, $0xF  }
0x9: {  	s8 =	sshll.u32 s9, $0xE;
	s26 =	sshll.u32 s3, $0x12;
	s6 =	sshrl.u32 s5, $0x1  }
0xa: {  	s9 =	sshll.u32 s9, $0x11;
	s10 =	sor.u32 s8, s7;
	s5 =	ssub.s32 s5, s6  }
0xb: {  	s23 =	sshrl.u32 s10, $0x3;
	s24 =	sshll.u32 s10, $0x3;
	s7 =	sor.u32 $0x200, s10  }
0xc: {  	s28 =	sor.u32 $0x600, s10;
	s30 =	sor.u32 $0x400, s10;
	s4 =	smax.u32 s5, $0x1  }
0xd: {  	s5 =	sadd.s32 s11, s23;
	s6 =	sadd.s32 s12, s24;
	s25 =	sshrl.u32 s7, $0x3  }
0xe: {  	s13 =	sshll.u32 s7, $0x3;
	s29 =	sshrl.u32 s28, $0x3;
	s31 =	sshrl.u32 s30, $0x3  }
0xf: {  	s7 =	sadd.s32 s11, s25;
	s8 =	sadd.s32 s12, s13;
	s12 =	sadd.s32 s26, s12  }
0x10: {  	s10 =	sadd.s32 s29, s11;
	s11 =	sadd.s32 s31, s11;
	s9 =	sadd.s32 s9, s12  }
0x11: {  	s13 =	simm.s32 $0x200;
	s12 =	simm.s32 $0x4;
	s9 =	sadd.s32 $0x3000, s9  }
.LBB2_1:
0x12: {  	[tilespmem:s2], [sflag:$0x4] =	stream.linear.gather [hbm4b:s5+s2], $0x200, $0x38;
	[tilespmem:$0x10400] =	vst v63  }
0x13: {  	_ =	swait.ge [sflag:s12], $0x200  }
0x14: {  	[sflag:s12] =	ssyncset.done $0x0  }
0x15: {  	[sflag:s12] =	ssyncadd.s32 $0xFFFFFE00  }
0x16: {  	[tilespmem:s14], [sflag:$0x1] =	stream.indirect.gather [hbm4b:s1+s13], $0x40, s2, s13, $0xb8;
	[tilespmem:$0x10400] =	vst v63  }
0x17: {  	_ =	swait.ge [sflag:s15], $0x8000  }
0x18: {  	[sflag:s15] =	ssyncset.done $0x0  }
0x19: {  	[sflag:s15] =	ssyncadd.s32 $0xFFFF8000  }
0x1a: {  	[hbm4b:s6+s2] =	stream.linear.scatter [tilespmem:s14], [sflag:$0x2], $0x8000, $0x38;
	[tilespmem:$0x10400] =	vst v63  }
0x1b: {  	_ = 	snop  }
0x1c: {  	[tilespmem:s13], [sflag:$0x4] =	stream.linear.gather [hbm4b:s7+s2], $0x200, $0x38;
	[tilespmem:$0x10400] =	vst v63  }
0x1d: {  	_ =	swait.ge [sflag:s12], $0x200  }
0x1e: {  	[sflag:s12] =	ssyncset.done $0x0  }
0x1f: {  	[sflag:s12] =	ssyncadd.s32 $0xFFFFFE00  }
0x20: {  	[tilespmem:s16], [sflag:$0x1] =	stream.indirect.gather [hbm4b:s1+s13], $0x40, s13, s13, $0xb8;
	[tilespmem:$0x10400] =	vst v63  }
0x21: {  	_ =	swait.ge [sflag:s15], $0x8000  }
0x22: {  	[sflag:s15] =	ssyncset.done $0x0  }
0x23: {  	[sflag:s15] =	ssyncadd.s32 $0xFFFF8000  }
0x24: {  	[hbm4b:s8+s2] =	stream.linear.scatter [tilespmem:s16], [sflag:$0x3], $0x8000, $0x38;
	[tilespmem:$0x10400] =	vst v63  }
0x25: {  	s20 =	sadd.s32 $0x0, s11  }
0x26: {  	[tilespmem:s2], [sflag:$0x4] =	stream.linear.gather [hbm4b:s20+s2], $0x200, $0x38;
	[tilespmem:$0x10400] =	vst v63  }
0x27: {  	_ =	swait.ge [sflag:s12], $0x200  }
0x28: {  	[sflag:s12] =	ssyncset.done $0x0  }
0x29: {  	[sflag:s12] =	ssyncadd.s32 $0xFFFFFE00  }
0x2a: {  	_ =	swait.ge [sflag:s17], $0x8000  }
0x2b: {  	[sflag:s17] =	ssyncset.done $0x0  }
0x2c: {  	[sflag:s17] =	ssyncadd.s32 $0xFFFF8000  }
0x2d: {  	[tilespmem:s14], [sflag:$0x1] =	stream.indirect.gather [hbm4b:s1+s13], $0x40, s2, s13, $0xb8;
	[tilespmem:$0x10400] =	vst v63  }
0x2e: {  	_ =	swait.ge [sflag:s15], $0x8000  }
0x2f: {  	[sflag:s15] =	ssyncset.done $0x0  }
0x30: {  	s30 =	sadd.s32 $0xFFFFF000, s9;
	[sflag:s15] =	ssyncadd.s32 $0xFFFF8000  }
0x31: {  	[hbm4b:s30+s2] =	stream.linear.scatter [tilespmem:s14], [sflag:$0x2], $0x8000, $0x38;
	[tilespmem:$0x10400] =	vst v63  }
0x32: {  	s31 =	sadd.s32 $0x0, s10  }
0x33: {  	[tilespmem:s13], [sflag:$0x4] =	stream.linear.gather [hbm4b:s31+s2], $0x200, $0x38;
	[tilespmem:$0x10400] =	vst v63  }
0x34: {  	_ =	swait.ge [sflag:s12], $0x200  }
0x35: {  	[sflag:s12] =	ssyncset.done $0x0  }
0x36: {  	[sflag:s12] =	ssyncadd.s32 $0xFFFFFE00  }
0x37: {  	_ =	swait.ge [sflag:s18], $0x8000  }
0x38: {  	[sflag:s18] =	ssyncset.done $0x0  }
0x39: {  	[sflag:s18] =	ssyncadd.s32 $0xFFFF8000  }
0x3a: {  	[tilespmem:s16], [sflag:$0x1] =	stream.indirect.gather [hbm4b:s1+s13], $0x40, s13, s13, $0xb8;
	[tilespmem:$0x10400] =	vst v63  }
0x3b: {  	_ =	swait.ge [sflag:s15], $0x8000  }
0x3c: {  	s21 =	sadd.s32 $0x2000, s9;
	[sflag:s15] =	ssyncset.done $0x0  }
0x3d: {  	s22 =	smov.u32 s9;
	s20 =	simm.s32 $0x80;
	[sflag:s15] =	ssyncadd.s32 $0xFFFF8000  }
.LBB2_2:
0x3e: {  	[hbm4b:s22+s2] =	stream.linear.scatter [tilespmem:s16], [sflag:$0x3], $0x8000, $0x38;
	[tilespmem:$0x10400] =	vst v63  }
0x3f: {  	s23 =	smov.u32 s20;
	s22 =	smov.u32 s21  }
0x40: {  	p0 =	sne.s32 s20, $0x700;
	s20 =	sadd.s32 $0x80, s20;
	s24 =	sadd.s32 s23, s11  }
0x41: {  	[tilespmem:s2], [sflag:$0x4] =	stream.linear.gather [hbm4b:s24+s2], $0x200, $0x38;
	[tilespmem:$0x10400] =	vst v63  }
0x42: {  	_ =	swait.ge [sflag:s12], $0x200  }
0x43: {  	[sflag:s12] =	ssyncset.done $0x0  }
0x44: {  	[sflag:s12] =	ssyncadd.s32 $0xFFFFFE00  }
0x45: {  	_ =	swait.ge [sflag:s17], $0x8000  }
0x46: {  	[sflag:s17] =	ssyncset.done $0x0  }
0x47: {  	[sflag:s17] =	ssyncadd.s32 $0xFFFF8000  }
0x48: {  	[tilespmem:s14], [sflag:$0x1] =	stream.indirect.gather [hbm4b:s1+s13], $0x40, s2, s13, $0xb8;
	[tilespmem:$0x10400] =	vst v63  }
0x49: {  	_ =	swait.ge [sflag:s15], $0x8000  }
0x4a: {  	[sflag:s15] =	ssyncset.done $0x0  }
0x4b: {  	s24 =	sadd.s32 $0xFFFFF000, s21;
	[sflag:s15] =	ssyncadd.s32 $0xFFFF8000  }
0x4c: {  	[hbm4b:s24+s2] =	stream.linear.scatter [tilespmem:s14], [sflag:$0x2], $0x8000, $0x38;
	[tilespmem:$0x10400] =	vst v63  }
0x4d: {  	s23 =	sadd.s32 s23, s10  }
0x4e: {  	[tilespmem:s13], [sflag:$0x4] =	stream.linear.gather [hbm4b:s23+s2], $0x200, $0x38;
	[tilespmem:$0x10400] =	vst v63  }
0x4f: {  	_ =	swait.ge [sflag:s12], $0x200  }
0x50: {  	[sflag:s12] =	ssyncset.done $0x0  }
0x51: {  	[sflag:s12] =	ssyncadd.s32 $0xFFFFFE00  }
0x52: {  	_ =	swait.ge [sflag:s18], $0x8000  }
0x53: {  	[sflag:s18] =	ssyncset.done $0x0  }
.Ltmp0:
0x54: {  	[sflag:s18] =	ssyncadd.s32 $0xFFFF8000;
	(pc) =	sbr.rel @p0 .LBB2_2-.Ltmp0, $4  }
0x55: {  	[tilespmem:s16], [sflag:$0x1] =	stream.indirect.gather [hbm4b:s1+s13], $0x40, s13, s13, $0xb8;
	[tilespmem:$0x10400] =	vst v63  }
0x56: {  	_ =	swait.ge [sflag:s15], $0x8000  }
0x57: {  	[sflag:s15] =	ssyncset.done $0x0  }
0x58: {  	s21 =	sadd.s32 $0x2000, s21;
	[sflag:s15] =	ssyncadd.s32 $0xFFFF8000  }
0x59: {  	[hbm4b:s22+s2] =	stream.linear.scatter [tilespmem:s16], [sflag:$0x3], $0x8000, $0x38;
	[tilespmem:$0x10400] =	vst v63  }
0x5a: {  	s19 =	sadd.s32 $0x1, s19  }
0x5b: {  	_ =	swait.ge [sflag:s17], $0x8000;
	p0 =	sne.s32 s19, s4  }
.Ltmp1:
0x5c: {  	[sflag:s17] =	ssyncset.done $0x0;
	(pc) =	sbr.rel @p0 .LBB2_1-.Ltmp1, $4  }
0x5d: {  	[sflag:s17] =	ssyncadd.s32 $0xFFFF8000  }
0x5e: {  	_ =	swait.ge [sflag:s18], $0x8000  }
0x5f: {  	[sflag:s18] =	ssyncset.done $0x0  }
0x60: {  	[sflag:s18] =	ssyncadd.s32 $0xFFFF8000  }
0x61: {  	_ =	sfence.sel $0x180000  }
0x62: {  	[bflag:$0x0] =	sbarrier.arrive $0xFFFF  }
0x63: {  	p0 =	sne.s32 s3, $0x0;
	_ =	strace $0x90000047  }
0x64: {  	s0 =	sadd.s32 @!p0 $0x100000, s0;
	[bflag:$0x2] =	sbarrier.arrive $0xFFFF  }
0x65: {  	[sflag:s0] =	ssyncadd.tile.s32 @!p0 $0x1;
	_ =	shalt  }
.Lfunc_end2:
_tile_overlayer_lowered:
.L_overlay_start_2:
0x66: {  	(tag) =	ssettag $0x2  }
0x67: {  	s0 =	rddreg [dreg:$0x0];
	s2 =	stileid.u32  }
0x68: {  	s1 =	rddreg [dreg:$0x1];
	p0 =	sne.s32 s2, $0x0  }
0x69: {  	s3 =	rddreg [dreg:$0x2];
	[bflag:$0x3] =	sbarrier.arrive $0xFFFF;
	s2 =	simm.s32 @!p0 $0x1C04  }
0x6a: {  	[timem:s3], [sflag:s2] =	dma.local @!p0 [hbm:s0], s1  }
0x6b: {  	s0 =	simm.s32 @!p0 $0x4  }
0x6c: {  	_ =	swait.ge @!p0 [sflag:s0], s1  }
0x6d: {  	s1 =	ssub.s32 @!p0 $0x0, s1;
	[sflag:s0] =	ssyncset.done @!p0 $0x0  }
0x6e: {  	[sflag:s0] =	ssyncadd.s32 @!p0 s1  }
0x6f: {  	[bflag:$0x3] =	sbarrier.arrive $0xFFFF  }
0x70: {  	_ =	shalt  }

</sc_bundles>
